<compile_context>
chip_gen: v7x
topology: tpu7x:2x2x1
jax: 0.10.2.dev20260603
libtpu: 0.0.44.dev20260713+nightly
codegen_flags: <defaults>
</compile_context>

<pallas_src>
import functools
import math

import jax
import jax.numpy as jnp
from jax import lax
from jax.experimental import pallas as pl
from jax.experimental.pallas import tpu as pltpu
from jax.experimental.pallas import tpu_sc as plsc

D_MODEL = 128
SCALE = math.sqrt(float(D_MODEL))
NUM_WORKERS = 32
CHUNK = 128
LANES = 16
NBUF = 3


def _make_kernel(n_rows: int):
    rows_per_worker = n_rows // NUM_WORKERS
    n_chunks = rows_per_worker // CHUNK
    assert rows_per_worker % CHUNK == 0 and n_chunks >= 2 * NBUF + 2
    n_step = n_chunks - 2 * NBUF
    n_steady = n_step // NBUF
    n_rem = n_step % NBUF
    mesh = plsc.VectorSubcoreMesh(core_axis_name="c", subcore_axis_name="s")

    @functools.partial(
        pl.kernel,
        out_type=jax.ShapeDtypeStruct((n_rows, D_MODEL), jnp.float32),
        mesh=mesh,
        scratch_types=[
            pltpu.VMEM((rows_per_worker,), jnp.int32),
            [pltpu.VMEM((CHUNK, D_MODEL), jnp.float32) for _ in range(NBUF)],
            [pltpu.VMEM((CHUNK, D_MODEL), jnp.float32) for _ in range(NBUF)],
            [pltpu.SemaphoreType.DMA for _ in range(NBUF)],
            [pltpu.SemaphoreType.DMA for _ in range(NBUF)],
        ],
    )
    def gather_scale(x_hbm, table_hbm, out_hbm, idx_v, bin, bout, gsem, ssem):
        wid = lax.axis_index("s") * 2 + lax.axis_index("c")
        base = wid * rows_per_worker
        pltpu.sync_copy(x_hbm.at[pl.ds(base, rows_per_worker)], idx_v)

        def sg(ci, b):
            pltpu.async_copy(table_hbm.at[idx_v.at[pl.ds(ci * CHUNK, CHUNK)]],
                             bin[b], gsem[b])

        def wg(ci, b):
            pltpu.make_async_copy(table_hbm.at[idx_v.at[pl.ds(ci * CHUNK, CHUNK)]],
                                  bin[b], gsem[b]).wait()

        def ss(ci, b):
            pltpu.async_copy(bout[b], out_hbm.at[pl.ds(base + ci * CHUNK, CHUNK)],
                             ssem[b])

        def ws(b):
            pltpu.make_async_copy(bout[b], out_hbm.at[pl.ds(base, CHUNK)],
                                  ssem[b]).wait()

        def scale(b):
            def row(i, _):
                for j in range(D_MODEL // LANES):
                    sl = pl.ds(j * LANES, LANES)
                    bout[b][i, sl] = bin[b][i, sl] * SCALE
                return 0

            lax.fori_loop(0, CHUNK, row, 0)

        def step(ci, b, first=False):
            wg(ci, b)
            if not first:
                ws(b)
            scale(b)
            sg(ci + NBUF, b)
            ss(ci, b)

        for b in range(NBUF):
            sg(b, b)
        for b in range(NBUF):
            step(b, b, first=True)

        def group(g, _):
            ci0 = g * NBUF
            for k in range(NBUF):
                step(ci0 + k, k)
            return 0

        lax.fori_loop(1, 1 + n_steady, group, 0)

        ci0 = (1 + n_steady) * NBUF
        for k in range(n_rem):
            step(ci0 + k, (ci0 + k) % NBUF)
        for k in range(n_rem, n_rem + NBUF):
            ci = ci0 + k
            b = ci % NBUF
            wg(ci, b)
            ws(b)
            scale(b)
            ss(ci, b)
        for ci in range(n_chunks - NBUF, n_chunks):
            ws(ci % NBUF)

    return gather_scale


def kernel(x, table):
    b, s = x.shape
    n_rows = b * s
    out = _make_kernel(n_rows)(x.reshape(n_rows).astype(jnp.int32), table)
    return out.reshape(b, s, D_MODEL)

# --- scband reference (transcript-rebuilt; emitter-appended) ---
"""Pipeline reference for scband-embeddings-66838281061237 (READ-ONLY COPY).

The authoritative reference and input builder live on the scoring server;
editing this copy changes nothing except your own understanding.
"""

import jax, jax.numpy as jnp
import numpy as np
import math

D_MODEL = 128
VOCAB_SIZE = 100000

def setup_inputs(seed: int = 0) -> dict:
    key = jax.random.key(seed)
    k1, k2 = jax.random.split(key)
    x = jax.random.randint(k1, (1024, 200), 0, VOCAB_SIZE, dtype=jnp.int64 if jax.config.jax_enable_x64 else jnp.int32)
    table = jax.random.normal(k2, (VOCAB_SIZE, D_MODEL), dtype=jnp.float32)
    return {"x": x, "table": table}

def reference(x, table):
    # Embeddings.forward: self.embeddings(x) * math.sqrt(self.d_model)
    emb = jnp.take(table, x, axis=0)
    return emb * math.sqrt(D_MODEL)

if __name__ == "__main__":
    import jax
    _d = setup_inputs()
    print(jax.jit(kernel)(*tuple(_d.values())))

</pallas_src>

<mosaic_0001>
#map = affine_map<(d0, d1) -> (0)>
#map1 = affine_map<(d0, d1) -> (0, 0)>
module attributes {stable_mosaic.version = 14 : i64} {
  func.func @gather_scale(%arg0: i32, %arg1: i32, %arg2: memref<204800xi32, #tpu.memory_space<hbm>>, %arg3: memref<100000x128xf32, #tpu.memory_space<hbm>>, %arg4: memref<204800x128xf32, #tpu.memory_space<hbm>>, %arg5: memref<6400xi32, #tpu.memory_space<vmem>>, %arg6: memref<128x128xf32, #tpu.memory_space<vmem>>, %arg7: memref<128x128xf32, #tpu.memory_space<vmem>>, %arg8: memref<128x128xf32, #tpu.memory_space<vmem>>, %arg9: memref<128x128xf32, #tpu.memory_space<vmem>>, %arg10: memref<128x128xf32, #tpu.memory_space<vmem>>, %arg11: memref<128x128xf32, #tpu.memory_space<vmem>>, %arg12: memref<!tpu.dma_semaphore, #tpu.memory_space<semaphore_mem>>, %arg13: memref<!tpu.dma_semaphore, #tpu.memory_space<semaphore_mem>>, %arg14: memref<!tpu.dma_semaphore, #tpu.memory_space<semaphore_mem>>, %arg15: memref<!tpu.dma_semaphore, #tpu.memory_space<semaphore_mem>>, %arg16: memref<!tpu.dma_semaphore, #tpu.memory_space<semaphore_mem>>, %arg17: memref<!tpu.dma_semaphore, #tpu.memory_space<semaphore_mem>>) attributes {dimension_semantics = [#tpu.dimension_semantics<core_parallel>, #tpu.dimension_semantics<subcore_parallel>], iteration_bounds = array<i64: 2, 16>, scalar_prefetch = 0 : i64, scratch_operands = 13 : i64, tpu.core_type = #tpu.core_type<sc_vector_subcore>, window_params = [{transform_indices = #map}, {transform_indices = #map1}, {transform_indices = #map1}]} {
    %mul3A = arith.constant 2 : i32
    %mul3A_0 = arith.muli %arg1, %mul3A : i32
    %add3A = arith.addi %mul3A_0, %arg0 : i32
    %mul3A_1 = arith.constant 6400 : i32
    %mul3A_2 = arith.muli %add3A, %mul3A_1 : i32
    "tpu.region"() ({
      %run_scoped3A = tpu.sem_alloc : memref<!tpu.dma_semaphore, #tpu.memory_space<semaphore_mem>>
      %dma_start3A_223 = tpu.memref_slice %arg2[%mul3A_2] : memref<204800xi32, #tpu.memory_space<hbm>> -> memref<6400xi32, #tpu.memory_space<hbm>>
      %dma_start3A_224 = tpu.memref_slice %arg2[%mul3A_2] : memref<204800xi32, #tpu.memory_space<hbm>> -> memref<6400xi32, #tpu.memory_space<hbm>>
      tpu.enqueue_dma source(%dma_start3A_224 : memref<6400xi32, #tpu.memory_space<hbm>>) target(%arg5 : memref<6400xi32, #tpu.memory_space<vmem>>) target_semaphore(%run_scoped3A : memref<!tpu.dma_semaphore, #tpu.memory_space<semaphore_mem>>)
      %dma_wait3A_225 = tpu.memref_slice %arg2[%mul3A_2] : memref<204800xi32, #tpu.memory_space<hbm>> -> memref<6400xi32, #tpu.memory_space<hbm>>
      %dma_wait3A_226 = tpu.memref_slice %arg2[%mul3A_2] : memref<204800xi32, #tpu.memory_space<hbm>> -> memref<6400xi32, #tpu.memory_space<hbm>>
      tpu.wait_dma2 semaphore(%run_scoped3A : memref<!tpu.dma_semaphore, #tpu.memory_space<semaphore_mem>>) src(%dma_wait3A_226 : memref<6400xi32, #tpu.memory_space<hbm>>) dst(%arg5 : memref<6400xi32, #tpu.memory_space<vmem>>)
      tpu.yield
    }) : () -> ()
    %dma_start3A = arith.constant 0 : i32
    %dma_start3A_3 = tpu.memref_slice %arg5[%dma_start3A] : memref<6400xi32, #tpu.memory_space<vmem>> -> memref<128xi32, #tpu.memory_space<vmem>>
    %dma_start3A_4 = arith.constant 0 : i32
    %dma_start3A_5 = arith.constant 0 : i32
    %dma_start3A_6 = tpu.memref_slice %arg3[%dma_start3A_4, %dma_start3A_5] : memref<100000x128xf32, #tpu.memory_space<hbm>> -> memref<100000x128xf32, #tpu.memory_space<hbm>>
    tpu.enqueue_indirect_dma source(%dma_start3A_6 : memref<100000x128xf32, #tpu.memory_space<hbm>>) target(%arg6 : memref<128x128xf32, #tpu.memory_space<vmem>>) offsets(%dma_start3A_3 : memref<128xi32, #tpu.memory_space<vmem>>) semaphore(%arg12 : memref<!tpu.dma_semaphore, #tpu.memory_space<semaphore_mem>>)
    %dma_start3A_7 = arith.constant 128 : i32
    %dma_start3A_8 = tpu.memref_slice %arg5[%dma_start3A_7] : memref<6400xi32, #tpu.memory_space<vmem>> -> memref<128xi32, #tpu.memory_space<vmem>>
    %dma_start3A_9 = arith.constant 0 : i32
    %dma_start3A_10 = arith.constant 0 : i32
    %dma_start3A_11 = tpu.memref_slice %arg3[%dma_start3A_9, %dma_start3A_10] : memref<100000x128xf32, #tpu.memory_space<hbm>> -> memref<100000x128xf32, #tpu.memory_space<hbm>>
    tpu.enqueue_indirect_dma source(%dma_start3A_11 : memref<100000x128xf32, #tpu.memory_space<hbm>>) target(%arg7 : memref<128x128xf32, #tpu.memory_space<vmem>>) offsets(%dma_start3A_8 : memref<128xi32, #tpu.memory_space<vmem>>) semaphore(%arg13 : memref<!tpu.dma_semaphore, #tpu.memory_space<semaphore_mem>>)
    %dma_start3A_12 = arith.constant 256 : i32
    %dma_start3A_13 = tpu.memref_slice %arg5[%dma_start3A_12] : memref<6400xi32, #tpu.memory_space<vmem>> -> memref<128xi32, #tpu.memory_space<vmem>>
    %dma_start3A_14 = arith.constant 0 : i32
    %dma_start3A_15 = arith.constant 0 : i32
    %dma_start3A_16 = tpu.memref_slice %arg3[%dma_start3A_14, %dma_start3A_15] : memref<100000x128xf32, #tpu.memory_space<hbm>> -> memref<100000x128xf32, #tpu.memory_space<hbm>>
    tpu.enqueue_indirect_dma source(%dma_start3A_16 : memref<100000x128xf32, #tpu.memory_space<hbm>>) target(%arg8 : memref<128x128xf32, #tpu.memory_space<vmem>>) offsets(%dma_start3A_13 : memref<128xi32, #tpu.memory_space<vmem>>) semaphore(%arg14 : memref<!tpu.dma_semaphore, #tpu.memory_space<semaphore_mem>>)
    %dma_wait3A = arith.constant 0 : i32
    %dma_wait3A_17 = tpu.memref_slice %arg5[%dma_wait3A] : memref<6400xi32, #tpu.memory_space<vmem>> -> memref<128xi32, #tpu.memory_space<vmem>>
    %dma_wait3A_18 = arith.constant 0 : i32
    %dma_wait3A_19 = arith.constant 0 : i32
    %dma_wait3A_20 = tpu.memref_slice %arg3[%dma_wait3A_18, %dma_wait3A_19] : memref<100000x128xf32, #tpu.memory_space<hbm>> -> memref<100000x128xf32, #tpu.memory_space<hbm>>
    tpu.wait_indirect_dma semaphore(%arg12 : memref<!tpu.dma_semaphore, #tpu.memory_space<semaphore_mem>>) src(%dma_wait3A_20 : memref<100000x128xf32, #tpu.memory_space<hbm>>) dst(%arg6 : memref<128x128xf32, #tpu.memory_space<vmem>>)
    %scan3A = arith.constant 0 : i32
    %scan3A_21 = arith.constant 0 : i32
    %scan3A_22 = arith.constant 128 : i32
    %scan3A_23 = arith.addi %scan3A_21, %scan3A_22 : i32
    %scan3A_24 = arith.constant 1 : i32
    %scan3A_25 = scf.for %scan3A_223 = %scan3A_21 to %scan3A_23 step %scan3A_24 iter_args(%scan3A_224 = %scan3A) -> (i32)  : i32 {
      %get3A = arith.index_cast %scan3A_223 : i32 to index
      %get3A_225 = arith.constant 0 : index
      %get3A_226 = tpu.vector_load %arg6[%get3A, %get3A_225] {strides = array<i32>} : memref<128x128xf32, #tpu.memory_space<vmem>>, vector<1x16xf32>,
      %get3A_227 = vector.shape_cast %get3A_226 : vector<1x16xf32> to vector<16xf32>
      %mul3A_228 = arith.constant 11.3137083 : f32
      %mul3A_229 = vector.broadcast %mul3A_228 : f32 to vector<16xf32>
      %mul3A_230 = arith.mulf %get3A_227, %mul3A_229 : vector<16xf32>
      %swap3A = arith.index_cast %scan3A_223 : i32 to index
      %swap3A_231 = arith.constant 0 : index
      %swap3A_232 = tpu.vector_load %arg9[%swap3A, %swap3A_231] {strides = array<i32>} : memref<128x128xf32, #tpu.memory_space<vmem>>, vector<1x16xf32>,
      %swap3A_233 = vector.shape_cast %swap3A_232 : vector<1x16xf32> to vector<16xf32>
      %swap3A_234 = vector.shape_cast %mul3A_230 : vector<16xf32> to vector<1x16xf32>
      tpu.vector_store %arg9[%swap3A, %swap3A_231], %swap3A_234 {strides = array<i32>} : memref<128x128xf32, #tpu.memory_space<vmem>>, vector<1x16xf32>,
      %get3A_235 = arith.index_cast %scan3A_223 : i32 to index
      %get3A_236 = arith.constant 16 : index
      %get3A_237 = tpu.vector_load %arg6[%get3A_235, %get3A_236] {strides = array<i32>} : memref<128x128xf32, #tpu.memory_space<vmem>>, vector<1x16xf32>,
      %get3A_238 = vector.shape_cast %get3A_237 : vector<1x16xf32> to vector<16xf32>
      %mul3A_239 = arith.constant 11.3137083 : f32
      %mul3A_240 = vector.broadcast %mul3A_239 : f32 to vector<16xf32>
      %mul3A_241 = arith.mulf %get3A_238, %mul3A_240 : vector<16xf32>
      %swap3A_242 = arith.index_cast %scan3A_223 : i32 to index
      %swap3A_243 = arith.constant 16 : index
      %swap3A_244 = tpu.vector_load %arg9[%swap3A_242, %swap3A_243] {strides = array<i32>} : memref<128x128xf32, #tpu.memory_space<vmem>>, vector<1x16xf32>,
      %swap3A_245 = vector.shape_cast %swap3A_244 : vector<1x16xf32> to vector<16xf32>
      %swap3A_246 = vector.shape_cast %mul3A_241 : vector<16xf32> to vector<1x16xf32>
      tpu.vector_store %arg9[%swap3A_242, %swap3A_243], %swap3A_246 {strides = array<i32>} : memref<128x128xf32, #tpu.memory_space<vmem>>, vector<1x16xf32>,
      %get3A_247 = arith.index_cast %scan3A_223 : i32 to index
      %get3A_248 = arith.constant 32 : index
      %get3A_249 = tpu.vector_load %arg6[%get3A_247, %get3A_248] {strides = array<i32>} : memref<128x128xf32, #tpu.memory_space<vmem>>, vector<1x16xf32>,
      %get3A_250 = vector.shape_cast %get3A_249 : vector<1x16xf32> to vector<16xf32>
      %mul3A_251 = arith.constant 11.3137083 : f32
      %mul3A_252 = vector.broadcast %mul3A_251 : f32 to vector<16xf32>
      %mul3A_253 = arith.mulf %get3A_250, %mul3A_252 : vector<16xf32>
      %swap3A_254 = arith.index_cast %scan3A_223 : i32 to index
      %swap3A_255 = arith.constant 32 : index
      %swap3A_256 = tpu.vector_load %arg9[%swap3A_254, %swap3A_255] {strides = array<i32>} : memref<128x128xf32, #tpu.memory_space<vmem>>, vector<1x16xf32>,
      %swap3A_257 = vector.shape_cast %swap3A_256 : vector<1x16xf32> to vector<16xf32>
      %swap3A_258 = vector.shape_cast %mul3A_253 : vector<16xf32> to vector<1x16xf32>
      tpu.vector_store %arg9[%swap3A_254, %swap3A_255], %swap3A_258 {strides = array<i32>} : memref<128x128xf32, #tpu.memory_space<vmem>>, vector<1x16xf32>,
      %get3A_259 = arith.index_cast %scan3A_223 : i32 to index
      %get3A_260 = arith.constant 48 : index
      %get3A_261 = tpu.vector_load %arg6[%get3A_259, %get3A_260] {strides = array<i32>} : memref<128x128xf32, #tpu.memory_space<vmem>>, vector<1x16xf32>,
      %get3A_262 = vector.shape_cast %get3A_261 : vector<1x16xf32> to vector<16xf32>
      %mul3A_263 = arith.constant 11.3137083 : f32
      %mul3A_264 = vector.broadcast %mul3A_263 : f32 to vector<16xf32>
      %mul3A_265 = arith.mulf %get3A_262, %mul3A_264 : vector<16xf32>
      %swap3A_266 = arith.index_cast %scan3A_223 : i32 to index
      %swap3A_267 = arith.constant 48 : index
      %swap3A_268 = tpu.vector_load %arg9[%swap3A_266, %swap3A_267] {strides = array<i32>} : memref<128x128xf32, #tpu.memory_space<vmem>>, vector<1x16xf32>,
      %swap3A_269 = vector.shape_cast %swap3A_268 : vector<1x16xf32> to vector<16xf32>
      %swap3A_270 = vector.shape_cast %mul3A_265 : vector<16xf32> to vector<1x16xf32>
      tpu.vector_store %arg9[%swap3A_266, %swap3A_267], %swap3A_270 {strides = array<i32>} : memref<128x128xf32, #tpu.memory_space<vmem>>, vector<1x16xf32>,
      %get3A_271 = arith.index_cast %scan3A_223 : i32 to index
      %get3A_272 = arith.constant 64 : index
      %get3A_273 = tpu.vector_load %arg6[%get3A_271, %get3A_272] {strides = array<i32>} : memref<128x128xf32, #tpu.memory_space<vmem>>, vector<1x16xf32>,
      %get3A_274 = vector.shape_cast %get3A_273 : vector<1x16xf32> to vector<16xf32>
      %mul3A_275 = arith.constant 11.3137083 : f32
      %mul3A_276 = vector.broadcast %mul3A_275 : f32 to vector<16xf32>
      %mul3A_277 = arith.mulf %get3A_274, %mul3A_276 : vector<16xf32>
      %swap3A_278 = arith.index_cast %scan3A_223 : i32 to index
      %swap3A_279 = arith.constant 64 : index
      %swap3A_280 = tpu.vector_load %arg9[%swap3A_278, %swap3A_279] {strides = array<i32>} : memref<128x128xf32, #tpu.memory_space<vmem>>, vector<1x16xf32>,
      %swap3A_281 = vector.shape_cast %swap3A_280 : vector<1x16xf32> to vector<16xf32>
      %swap3A_282 = vector.shape_cast %mul3A_277 : vector<16xf32> to vector<1x16xf32>
      tpu.vector_store %arg9[%swap3A_278, %swap3A_279], %swap3A_282 {strides = array<i32>} : memref<128x128xf32, #tpu.memory_space<vmem>>, vector<1x16xf32>,
      %get3A_283 = arith.index_cast %scan3A_223 : i32 to index
      %get3A_284 = arith.constant 80 : index
      %get3A_285 = tpu.vector_load %arg6[%get3A_283, %get3A_284] {strides = array<i32>} : memref<128x128xf32, #tpu.memory_space<vmem>>, vector<1x16xf32>,
      %get3A_286 = vector.shape_cast %get3A_285 : vector<1x16xf32> to vector<16xf32>
      %mul3A_287 = arith.constant 11.3137083 : f32
      %mul3A_288 = vector.broadcast %mul3A_287 : f32 to vector<16xf32>
      %mul3A_289 = arith.mulf %get3A_286, %mul3A_288 : vector<16xf32>
      %swap3A_290 = arith.index_cast %scan3A_223 : i32 to index
      %swap3A_291 = arith.constant 80 : index
      %swap3A_292 = tpu.vector_load %arg9[%swap3A_290, %swap3A_291] {strides = array<i32>} : memref<128x128xf32, #tpu.memory_space<vmem>>, vector<1x16xf32>,
      %swap3A_293 = vector.shape_cast %swap3A_292 : vector<1x16xf32> to vector<16xf32>
      %swap3A_294 = vector.shape_cast %mul3A_289 : vector<16xf32> to vector<1x16xf32>
      tpu.vector_store %arg9[%swap3A_290, %swap3A_291], %swap3A_294 {strides = array<i32>} : memref<128x128xf32, #tpu.memory_space<vmem>>, vector<1x16xf32>,
      %get3A_295 = arith.index_cast %scan3A_223 : i32 to index
      %get3A_296 = arith.constant 96 : index
      %get3A_297 = tpu.vector_load %arg6[%get3A_295, %get3A_296] {strides = array<i32>} : memref<128x128xf32, #tpu.memory_space<vmem>>, vector<1x16xf32>,
      %get3A_298 = vector.shape_cast %get3A_297 : vector<1x16xf32> to vector<16xf32>
      %mul3A_299 = arith.constant 11.3137083 : f32
      %mul3A_300 = vector.broadcast %mul3A_299 : f32 to vector<16xf32>
      %mul3A_301 = arith.mulf %get3A_298, %mul3A_300 : vector<16xf32>
      %swap3A_302 = arith.index_cast %scan3A_223 : i32 to index
      %swap3A_303 = arith.constant 96 : index
      %swap3A_304 = tpu.vector_load %arg9[%swap3A_302, %swap3A_303] {strides = array<i32>} : memref<128x128xf32, #tpu.memory_space<vmem>>, vector<1x16xf32>,
      %swap3A_305 = vector.shape_cast %swap3A_304 : vector<1x16xf32> to vector<16xf32>
      %swap3A_306 = vector.shape_cast %mul3A_301 : vector<16xf32> to vector<1x16xf32>
      tpu.vector_store %arg9[%swap3A_302, %swap3A_303], %swap3A_306 {strides = array<i32>} : memref<128x128xf32, #tpu.memory_space<vmem>>, vector<1x16xf32>,
      %get3A_307 = arith.index_cast %scan3A_223 : i32 to index
      %get3A_308 = arith.constant 112 : index
      %get3A_309 = tpu.vector_load %arg6[%get3A_307, %get3A_308] {strides = array<i32>} : memref<128x128xf32, #tpu.memory_space<vmem>>, vector<1x16xf32>,
      %get3A_310 = vector.shape_cast %get3A_309 : vector<1x16xf32> to vector<16xf32>
      %mul3A_311 = arith.constant 11.3137083 : f32
      %mul3A_312 = vector.broadcast %mul3A_311 : f32 to vector<16xf32>
      %mul3A_313 = arith.mulf %get3A_310, %mul3A_312 : vector<16xf32>
      %swap3A_314 = arith.index_cast %scan3A_223 : i32 to index
      %swap3A_315 = arith.constant 112 : index
      %swap3A_316 = tpu.vector_load %arg9[%swap3A_314, %swap3A_315] {strides = array<i32>} : memref<128x128xf32, #tpu.memory_space<vmem>>, vector<1x16xf32>,
      %swap3A_317 = vector.shape_cast %swap3A_316 : vector<1x16xf32> to vector<16xf32>
      %swap3A_318 = vector.shape_cast %mul3A_313 : vector<16xf32> to vector<1x16xf32>
      tpu.vector_store %arg9[%swap3A_314, %swap3A_315], %swap3A_318 {strides = array<i32>} : memref<128x128xf32, #tpu.memory_space<vmem>>, vector<1x16xf32>,
      %scan3A_319 = arith.constant 0 : i32
      scf.yield %scan3A_319 : i32
    }
    %scan3A_26 = arith.constant 128 : i32
    %dma_start3A_27 = arith.constant 384 : i32
    %dma_start3A_28 = tpu.memref_slice %arg5[%dma_start3A_27] : memref<6400xi32, #tpu.memory_space<vmem>> -> memref<128xi32, #tpu.memory_space<vmem>>
    %dma_start3A_29 = arith.constant 0 : i32
    %dma_start3A_30 = arith.constant 0 : i32
    %dma_start3A_31 = tpu.memref_slice %arg3[%dma_start3A_29, %dma_start3A_30] : memref<100000x128xf32, #tpu.memory_space<hbm>> -> memref<100000x128xf32, #tpu.memory_space<hbm>>
    tpu.enqueue_indirect_dma source(%dma_start3A_31 : memref<100000x128xf32, #tpu.memory_space<hbm>>) target(%arg6 : memref<128x128xf32, #tpu.memory_space<vmem>>) offsets(%dma_start3A_28 : memref<128xi32, #tpu.memory_space<vmem>>) semaphore(%arg12 : memref<!tpu.dma_semaphore, #tpu.memory_space<semaphore_mem>>)
    %add3A_32 = arith.constant 0 : i32
    %add3A_33 = arith.addi %mul3A_2, %add3A_32 : i32
    %dma_start3A_34 = arith.constant 0 : i32
    %dma_start3A_35 = tpu.memref_slice %arg4[%add3A_33, %dma_start3A_34] : memref<204800x128xf32, #tpu.memory_space<hbm>> -> memref<128x128xf32, #tpu.memory_space<hbm>>
    %dma_start3A_36 = arith.constant 0 : i32
    %dma_start3A_37 = tpu.memref_slice %arg4[%add3A_33, %dma_start3A_36] : memref<204800x128xf32, #tpu.memory_space<hbm>> -> memref<128x128xf32, #tpu.memory_space<hbm>>
    tpu.enqueue_dma source(%arg9 : memref<128x128xf32, #tpu.memory_space<vmem>>) target(%dma_start3A_37 : memref<128x128xf32, #tpu.memory_space<hbm>>) target_semaphore(%arg15 : memref<!tpu.dma_semaphore, #tpu.memory_space<semaphore_mem>>)
    %dma_wait3A_38 = arith.constant 128 : i32
    %dma_wait3A_39 = tpu.memref_slice %arg5[%dma_wait3A_38] : memref<6400xi32, #tpu.memory_space<vmem>> -> memref<128xi32, #tpu.memory_space<vmem>>
    %dma_wait3A_40 = arith.constant 0 : i32
    %dma_wait3A_41 = arith.constant 0 : i32
    %dma_wait3A_42 = tpu.memref_slice %arg3[%dma_wait3A_40, %dma_wait3A_41] : memref<100000x128xf32, #tpu.memory_space<hbm>> -> memref<100000x128xf32, #tpu.memory_space<hbm>>
    tpu.wait_indirect_dma semaphore(%arg13 : memref<!tpu.dma_semaphore, #tpu.memory_space<semaphore_mem>>) src(%dma_wait3A_42 : memref<100000x128xf32, #tpu.memory_space<hbm>>) dst(%arg7 : memref<128x128xf32, #tpu.memory_space<vmem>>)
    %scan3A_43 = arith.constant 0 : i32
    %scan3A_44 = arith.constant 0 : i32
    %scan3A_45 = arith.constant 128 : i32
    %scan3A_46 = arith.addi %scan3A_44, %scan3A_45 : i32
    %scan3A_47 = arith.constant 1 : i32
    %scan3A_48 = scf.for %scan3A_223 = %scan3A_44 to %scan3A_46 step %scan3A_47 iter_args(%scan3A_224 = %scan3A_43) -> (i32)  : i32 {
      %get3A = arith.index_cast %scan3A_223 : i32 to index
      %get3A_225 = arith.constant 0 : index
      %get3A_226 = tpu.vector_load %arg7[%get3A, %get3A_225] {strides = array<i32>} : memref<128x128xf32, #tpu.memory_space<vmem>>, vector<1x16xf32>,
      %get3A_227 = vector.shape_cast %get3A_226 : vector<1x16xf32> to vector<16xf32>
      %mul3A_228 = arith.constant 11.3137083 : f32
      %mul3A_229 = vector.broadcast %mul3A_228 : f32 to vector<16xf32>
      %mul3A_230 = arith.mulf %get3A_227, %mul3A_229 : vector<16xf32>
      %swap3A = arith.index_cast %scan3A_223 : i32 to index
      %swap3A_231 = arith.constant 0 : index
      %swap3A_232 = tpu.vector_load %arg10[%swap3A, %swap3A_231] {strides = array<i32>} : memref<128x128xf32, #tpu.memory_space<vmem>>, vector<1x16xf32>,
      %swap3A_233 = vector.shape_cast %swap3A_232 : vector<1x16xf32> to vector<16xf32>
      %swap3A_234 = vector.shape_cast %mul3A_230 : vector<16xf32> to vector<1x16xf32>
      tpu.vector_store %arg10[%swap3A, %swap3A_231], %swap3A_234 {strides = array<i32>} : memref<128x128xf32, #tpu.memory_space<vmem>>, vector<1x16xf32>,
      %get3A_235 = arith.index_cast %scan3A_223 : i32 to index
      %get3A_236 = arith.constant 16 : index
      %get3A_237 = tpu.vector_load %arg7[%get3A_235, %get3A_236] {strides = array<i32>} : memref<128x128xf32, #tpu.memory_space<vmem>>, vector<1x16xf32>,
      %get3A_238 = vector.shape_cast %get3A_237 : vector<1x16xf32> to vector<16xf32>
      %mul3A_239 = arith.constant 11.3137083 : f32
      %mul3A_240 = vector.broadcast %mul3A_239 : f32 to vector<16xf32>
      %mul3A_241 = arith.mulf %get3A_238, %mul3A_240 : vector<16xf32>
      %swap3A_242 = arith.index_cast %scan3A_223 : i32 to index
      %swap3A_243 = arith.constant 16 : index
      %swap3A_244 = tpu.vector_load %arg10[%swap3A_242, %swap3A_243] {strides = array<i32>} : memref<128x128xf32, #tpu.memory_space<vmem>>, vector<1x16xf32>,
      %swap3A_245 = vector.shape_cast %swap3A_244 : vector<1x16xf32> to vector<16xf32>
      %swap3A_246 = vector.shape_cast %mul3A_241 : vector<16xf32> to vector<1x16xf32>
      tpu.vector_store %arg10[%swap3A_242, %swap3A_243], %swap3A_246 {strides = array<i32>} : memref<128x128xf32, #tpu.memory_space<vmem>>, vector<1x16xf32>,
      %get3A_247 = arith.index_cast %scan3A_223 : i32 to index
      %get3A_248 = arith.constant 32 : index
      %get3A_249 = tpu.vector_load %arg7[%get3A_247, %get3A_248] {strides = array<i32>} : memref<128x128xf32, #tpu.memory_space<vmem>>, vector<1x16xf32>,
      %get3A_250 = vector.shape_cast %get3A_249 : vector<1x16xf32> to vector<16xf32>
      %mul3A_251 = arith.constant 11.3137083 : f32
      %mul3A_252 = vector.broadcast %mul3A_251 : f32 to vector<16xf32>
      %mul3A_253 = arith.mulf %get3A_250, %mul3A_252 : vector<16xf32>
      %swap3A_254 = arith.index_cast %scan3A_223 : i32 to index
      %swap3A_255 = arith.constant 32 : index
      %swap3A_256 = tpu.vector_load %arg10[%swap3A_254, %swap3A_255] {strides = array<i32>} : memref<128x128xf32, #tpu.memory_space<vmem>>, vector<1x16xf32>,
      %swap3A_257 = vector.shape_cast %swap3A_256 : vector<1x16xf32> to vector<16xf32>
      %swap3A_258 = vector.shape_cast %mul3A_253 : vector<16xf32> to vector<1x16xf32>
      tpu.vector_store %arg10[%swap3A_254, %swap3A_255], %swap3A_258 {strides = array<i32>} : memref<128x128xf32, #tpu.memory_space<vmem>>, vector<1x16xf32>,
      %get3A_259 = arith.index_cast %scan3A_223 : i32 to index
      %get3A_260 = arith.constant 48 : index
      %get3A_261 = tpu.vector_load %arg7[%get3A_259, %get3A_260] {strides = array<i32>} : memref<128x128xf32, #tpu.memory_space<vmem>>, vector<1x16xf32>,
      %get3A_262 = vector.shape_cast %get3A_261 : vector<1x16xf32> to vector<16xf32>
      %mul3A_263 = arith.constant 11.3137083 : f32
      %mul3A_264 = vector.broadcast %mul3A_263 : f32 to vector<16xf32>
      %mul3A_265 = arith.mulf %get3A_262, %mul3A_264 : vector<16xf32>
      %swap3A_266 = arith.index_cast %scan3A_223 : i32 to index
      %swap3A_267 = arith.constant 48 : index
      %swap3A_268 = tpu.vector_load %arg10[%swap3A_266, %swap3A_267] {strides = array<i32>} : memref<128x128xf32, #tpu.memory_space<vmem>>, vector<1x16xf32>,
      %swap3A_269 = vector.shape_cast %swap3A_268 : vector<1x16xf32> to vector<16xf32>
      %swap3A_270 = vector.shape_cast %mul3A_265 : vector<16xf32> to vector<1x16xf32>
      tpu.vector_store %arg10[%swap3A_266, %swap3A_267], %swap3A_270 {strides = array<i32>} : memref<128x128xf32, #tpu.memory_space<vmem>>, vector<1x16xf32>,
      %get3A_271 = arith.index_cast %scan3A_223 : i32 to index
      %get3A_272 = arith.constant 64 : index
      %get3A_273 = tpu.vector_load %arg7[%get3A_271, %get3A_272] {strides = array<i32>} : memref<128x128xf32, #tpu.memory_space<vmem>>, vector<1x16xf32>,
      %get3A_274 = vector.shape_cast %get3A_273 : vector<1x16xf32> to vector<16xf32>
      %mul3A_275 = arith.constant 11.3137083 : f32
      %mul3A_276 = vector.broadcast %mul3A_275 : f32 to vector<16xf32>
      %mul3A_277 = arith.mulf %get3A_274, %mul3A_276 : vector<16xf32>
      %swap3A_278 = arith.index_cast %scan3A_223 : i32 to index
      %swap3A_279 = arith.constant 64 : index
      %swap3A_280 = tpu.vector_load %arg10[%swap3A_278, %swap3A_279] {strides = array<i32>} : memref<128x128xf32, #tpu.memory_space<vmem>>, vector<1x16xf32>,
      %swap3A_281 = vector.shape_cast %swap3A_280 : vector<1x16xf32> to vector<16xf32>
      %swap3A_282 = vector.shape_cast %mul3A_277 : vector<16xf32> to vector<1x16xf32>
      tpu.vector_store %arg10[%swap3A_278, %swap3A_279], %swap3A_282 {strides = array<i32>} : memref<128x128xf32, #tpu.memory_space<vmem>>, vector<1x16xf32>,
      %get3A_283 = arith.index_cast %scan3A_223 : i32 to index
      %get3A_284 = arith.constant 80 : index
      %get3A_285 = tpu.vector_load %arg7[%get3A_283, %get3A_284] {strides = array<i32>} : memref<128x128xf32, #tpu.memory_space<vmem>>, vector<1x16xf32>,
      %get3A_286 = vector.shape_cast %get3A_285 : vector<1x16xf32> to vector<16xf32>
      %mul3A_287 = arith.constant 11.3137083 : f32
      %mul3A_288 = vector.broadcast %mul3A_287 : f32 to vector<16xf32>
      %mul3A_289 = arith.mulf %get3A_286, %mul3A_288 : vector<16xf32>
      %swap3A_290 = arith.index_cast %scan3A_223 : i32 to index
      %swap3A_291 = arith.constant 80 : index
      %swap3A_292 = tpu.vector_load %arg10[%swap3A_290, %swap3A_291] {strides = array<i32>} : memref<128x128xf32, #tpu.memory_space<vmem>>, vector<1x16xf32>,
      %swap3A_293 = vector.shape_cast %swap3A_292 : vector<1x16xf32> to vector<16xf32>
      %swap3A_294 = vector.shape_cast %mul3A_289 : vector<16xf32> to vector<1x16xf32>
      tpu.vector_store %arg10[%swap3A_290, %swap3A_291], %swap3A_294 {strides = array<i32>} : memref<128x128xf32, #tpu.memory_space<vmem>>, vector<1x16xf32>,
      %get3A_295 = arith.index_cast %scan3A_223 : i32 to index
      %get3A_296 = arith.constant 96 : index
      %get3A_297 = tpu.vector_load %arg7[%get3A_295, %get3A_296] {strides = array<i32>} : memref<128x128xf32, #tpu.memory_space<vmem>>, vector<1x16xf32>,
      %get3A_298 = vector.shape_cast %get3A_297 : vector<1x16xf32> to vector<16xf32>
      %mul3A_299 = arith.constant 11.3137083 : f32
      %mul3A_300 = vector.broadcast %mul3A_299 : f32 to vector<16xf32>
      %mul3A_301 = arith.mulf %get3A_298, %mul3A_300 : vector<16xf32>
      %swap3A_302 = arith.index_cast %scan3A_223 : i32 to index
      %swap3A_303 = arith.constant 96 : index
      %swap3A_304 = tpu.vector_load %arg10[%swap3A_302, %swap3A_303] {strides = array<i32>} : memref<128x128xf32, #tpu.memory_space<vmem>>, vector<1x16xf32>,
      %swap3A_305 = vector.shape_cast %swap3A_304 : vector<1x16xf32> to vector<16xf32>
      %swap3A_306 = vector.shape_cast %mul3A_301 : vector<16xf32> to vector<1x16xf32>
      tpu.vector_store %arg10[%swap3A_302, %swap3A_303], %swap3A_306 {strides = array<i32>} : memref<128x128xf32, #tpu.memory_space<vmem>>, vector<1x16xf32>,
      %get3A_307 = arith.index_cast %scan3A_223 : i32 to index
      %get3A_308 = arith.constant 112 : index
      %get3A_309 = tpu.vector_load %arg7[%get3A_307, %get3A_308] {strides = array<i32>} : memref<128x128xf32, #tpu.memory_space<vmem>>, vector<1x16xf32>,
      %get3A_310 = vector.shape_cast %get3A_309 : vector<1x16xf32> to vector<16xf32>
      %mul3A_311 = arith.constant 11.3137083 : f32
      %mul3A_312 = vector.broadcast %mul3A_311 : f32 to vector<16xf32>
      %mul3A_313 = arith.mulf %get3A_310, %mul3A_312 : vector<16xf32>
      %swap3A_314 = arith.index_cast %scan3A_223 : i32 to index
      %swap3A_315 = arith.constant 112 : index
      %swap3A_316 = tpu.vector_load %arg10[%swap3A_314, %swap3A_315] {strides = array<i32>} : memref<128x128xf32, #tpu.memory_space<vmem>>, vector<1x16xf32>,
      %swap3A_317 = vector.shape_cast %swap3A_316 : vector<1x16xf32> to vector<16xf32>
      %swap3A_318 = vector.shape_cast %mul3A_313 : vector<16xf32> to vector<1x16xf32>
      tpu.vector_store %arg10[%swap3A_314, %swap3A_315], %swap3A_318 {strides = array<i32>} : memref<128x128xf32, #tpu.memory_space<vmem>>, vector<1x16xf32>,
      %scan3A_319 = arith.constant 0 : i32
      scf.yield %scan3A_319 : i32
    }
    %scan3A_49 = arith.constant 128 : i32
    %dma_start3A_50 = arith.constant 512 : i32
    %dma_start3A_51 = tpu.memref_slice %arg5[%dma_start3A_50] : memref<6400xi32, #tpu.memory_space<vmem>> -> memref<128xi32, #tpu.memory_space<vmem>>
    %dma_start3A_52 = arith.constant 0 : i32
    %dma_start3A_53 = arith.constant 0 : i32
    %dma_start3A_54 = tpu.memref_slice %arg3[%dma_start3A_52, %dma_start3A_53] : memref<100000x128xf32, #tpu.memory_space<hbm>> -> memref<100000x128xf32, #tpu.memory_space<hbm>>
    tpu.enqueue_indirect_dma source(%dma_start3A_54 : memref<100000x128xf32, #tpu.memory_space<hbm>>) target(%arg7 : memref<128x128xf32, #tpu.memory_space<vmem>>) offsets(%dma_start3A_51 : memref<128xi32, #tpu.memory_space<vmem>>) semaphore(%arg13 : memref<!tpu.dma_semaphore, #tpu.memory_space<semaphore_mem>>)
    %add3A_55 = arith.constant 128 : i32
    %add3A_56 = arith.addi %mul3A_2, %add3A_55 : i32
    %dma_start3A_57 = arith.constant 0 : i32
    %dma_start3A_58 = tpu.memref_slice %arg4[%add3A_56, %dma_start3A_57] : memref<204800x128xf32, #tpu.memory_space<hbm>> -> memref<128x128xf32, #tpu.memory_space<hbm>>
    %dma_start3A_59 = arith.constant 0 : i32
    %dma_start3A_60 = tpu.memref_slice %arg4[%add3A_56, %dma_start3A_59] : memref<204800x128xf32, #tpu.memory_space<hbm>> -> memref<128x128xf32, #tpu.memory_space<hbm>>
    tpu.enqueue_dma source(%arg10 : memref<128x128xf32, #tpu.memory_space<vmem>>) target(%dma_start3A_60 : memref<128x128xf32, #tpu.memory_space<hbm>>) target_semaphore(%arg16 : memref<!tpu.dma_semaphore, #tpu.memory_space<semaphore_mem>>)
    %dma_wait3A_61 = arith.constant 256 : i32
    %dma_wait3A_62 = tpu.memref_slice %arg5[%dma_wait3A_61] : memref<6400xi32, #tpu.memory_space<vmem>> -> memref<128xi32, #tpu.memory_space<vmem>>
    %dma_wait3A_63 = arith.constant 0 : i32
    %dma_wait3A_64 = arith.constant 0 : i32
    %dma_wait3A_65 = tpu.memref_slice %arg3[%dma_wait3A_63, %dma_wait3A_64] : memref<100000x128xf32, #tpu.memory_space<hbm>> -> memref<100000x128xf32, #tpu.memory_space<hbm>>
    tpu.wait_indirect_dma semaphore(%arg14 : memref<!tpu.dma_semaphore, #tpu.memory_space<semaphore_mem>>) src(%dma_wait3A_65 : memref<100000x128xf32, #tpu.memory_space<hbm>>) dst(%arg8 : memref<128x128xf32, #tpu.memory_space<vmem>>)
    %scan3A_66 = arith.constant 0 : i32
    %scan3A_67 = arith.constant 0 : i32
    %scan3A_68 = arith.constant 128 : i32
    %scan3A_69 = arith.addi %scan3A_67, %scan3A_68 : i32
    %scan3A_70 = arith.constant 1 : i32
    %scan3A_71 = scf.for %scan3A_223 = %scan3A_67 to %scan3A_69 step %scan3A_70 iter_args(%scan3A_224 = %scan3A_66) -> (i32)  : i32 {
      %get3A = arith.index_cast %scan3A_223 : i32 to index
      %get3A_225 = arith.constant 0 : index
      %get3A_226 = tpu.vector_load %arg8[%get3A, %get3A_225] {strides = array<i32>} : memref<128x128xf32, #tpu.memory_space<vmem>>, vector<1x16xf32>,
      %get3A_227 = vector.shape_cast %get3A_226 : vector<1x16xf32> to vector<16xf32>
      %mul3A_228 = arith.constant 11.3137083 : f32
      %mul3A_229 = vector.broadcast %mul3A_228 : f32 to vector<16xf32>
      %mul3A_230 = arith.mulf %get3A_227, %mul3A_229 : vector<16xf32>
      %swap3A = arith.index_cast %scan3A_223 : i32 to index
      %swap3A_231 = arith.constant 0 : index
      %swap3A_232 = tpu.vector_load %arg11[%swap3A, %swap3A_231] {strides = array<i32>} : memref<128x128xf32, #tpu.memory_space<vmem>>, vector<1x16xf32>,
      %swap3A_233 = vector.shape_cast %swap3A_232 : vector<1x16xf32> to vector<16xf32>
      %swap3A_234 = vector.shape_cast %mul3A_230 : vector<16xf32> to vector<1x16xf32>
      tpu.vector_store %arg11[%swap3A, %swap3A_231], %swap3A_234 {strides = array<i32>} : memref<128x128xf32, #tpu.memory_space<vmem>>, vector<1x16xf32>,
      %get3A_235 = arith.index_cast %scan3A_223 : i32 to index
      %get3A_236 = arith.constant 16 : index
      %get3A_237 = tpu.vector_load %arg8[%get3A_235, %get3A_236] {strides = array<i32>} : memref<128x128xf32, #tpu.memory_space<vmem>>, vector<1x16xf32>,
      %get3A_238 = vector.shape_cast %get3A_237 : vector<1x16xf32> to vector<16xf32>
      %mul3A_239 = arith.constant 11.3137083 : f32
      %mul3A_240 = vector.broadcast %mul3A_239 : f32 to vector<16xf32>
      %mul3A_241 = arith.mulf %get3A_238, %mul3A_240 : vector<16xf32>
      %swap3A_242 = arith.index_cast %scan3A_223 : i32 to index
      %swap3A_243 = arith.constant 16 : index
      %swap3A_244 = tpu.vector_load %arg11[%swap3A_242, %swap3A_243] {strides = array<i32>} : memref<128x128xf32, #tpu.memory_space<vmem>>, vector<1x16xf32>,
      %swap3A_245 = vector.shape_cast %swap3A_244 : vector<1x16xf32> to vector<16xf32>
      %swap3A_246 = vector.shape_cast %mul3A_241 : vector<16xf32> to vector<1x16xf32>
      tpu.vector_store %arg11[%swap3A_242, %swap3A_243], %swap3A_246 {strides = array<i32>} : memref<128x128xf32, #tpu.memory_space<vmem>>, vector<1x16xf32>,
      %get3A_247 = arith.index_cast %scan3A_223 : i32 to index
      %get3A_248 = arith.constant 32 : index
      %get3A_249 = tpu.vector_load %arg8[%get3A_247, %get3A_248] {strides = array<i32>} : memref<128x128xf32, #tpu.memory_space<vmem>>, vector<1x16xf32>,
      %get3A_250 = vector.shape_cast %get3A_249 : vector<1x16xf32> to vector<16xf32>
      %mul3A_251 = arith.constant 11.3137083 : f32
      %mul3A_252 = vector.broadcast %mul3A_251 : f32 to vector<16xf32>
      %mul3A_253 = arith.mulf %get3A_250, %mul3A_252 : vector<16xf32>
      %swap3A_254 = arith.index_cast %scan3A_223 : i32 to index
      %swap3A_255 = arith.constant 32 : index
      %swap3A_256 = tpu.vector_load %arg11[%swap3A_254, %swap3A_255] {strides = array<i32>} : memref<128x128xf32, #tpu.memory_space<vmem>>, vector<1x16xf32>,
      %swap3A_257 = vector.shape_cast %swap3A_256 : vector<1x16xf32> to vector<16xf32>
      %swap3A_258 = vector.shape_cast %mul3A_253 : vector<16xf32> to vector<1x16xf32>
      tpu.vector_store %arg11[%swap3A_254, %swap3A_255], %swap3A_258 {strides = array<i32>} : memref<128x128xf32, #tpu.memory_space<vmem>>, vector<1x16xf32>,
      %get3A_259 = arith.index_cast %scan3A_223 : i32 to index
      %get3A_260 = arith.constant 48 : index
      %get3A_261 = tpu.vector_load %arg8[%get3A_259, %get3A_260] {strides = array<i32>} : memref<128x128xf32, #tpu.memory_space<vmem>>, vector<1x16xf32>,
      %get3A_262 = vector.shape_cast %get3A_261 : vector<1x16xf32> to vector<16xf32>
      %mul3A_263 = arith.constant 11.3137083 : f32
      %mul3A_264 = vector.broadcast %mul3A_263 : f32 to vector<16xf32>
      %mul3A_265 = arith.mulf %get3A_262, %mul3A_264 : vector<16xf32>
      %swap3A_266 = arith.index_cast %scan3A_223 : i32 to index
      %swap3A_267 = arith.constant 48 : index
      %swap3A_268 = tpu.vector_load %arg11[%swap3A_266, %swap3A_267] {strides = array<i32>} : memref<128x128xf32, #tpu.memory_space<vmem>>, vector<1x16xf32>,
      %swap3A_269 = vector.shape_cast %swap3A_268 : vector<1x16xf32> to vector<16xf32>
      %swap3A_270 = vector.shape_cast %mul3A_265 : vector<16xf32> to vector<1x16xf32>
      tpu.vector_store %arg11[%swap3A_266, %swap3A_267], %swap3A_270 {strides = array<i32>} : memref<128x128xf32, #tpu.memory_space<vmem>>, vector<1x16xf32>,
      %get3A_271 = arith.index_cast %scan3A_223 : i32 to index
      %get3A_272 = arith.constant 64 : index
      %get3A_273 = tpu.vector_load %arg8[%get3A_271, %get3A_272] {strides = array<i32>} : memref<128x128xf32, #tpu.memory_space<vmem>>, vector<1x16xf32>,
      %get3A_274 = vector.shape_cast %get3A_273 : vector<1x16xf32> to vector<16xf32>
      %mul3A_275 = arith.constant 11.3137083 : f32
      %mul3A_276 = vector.broadcast %mul3A_275 : f32 to vector<16xf32>
      %mul3A_277 = arith.mulf %get3A_274, %mul3A_276 : vector<16xf32>
      %swap3A_278 = arith.index_cast %scan3A_223 : i32 to index
      %swap3A_279 = arith.constant 64 : index
      %swap3A_280 = tpu.vector_load %arg11[%swap3A_278, %swap3A_279] {strides = array<i32>} : memref<128x128xf32, #tpu.memory_space<vmem>>, vector<1x16xf32>,
      %swap3A_281 = vector.shape_cast %swap3A_280 : vector<1x16xf32> to vector<16xf32>
      %swap3A_282 = vector.shape_cast %mul3A_277 : vector<16xf32> to vector<1x16xf32>
      tpu.vector_store %arg11[%swap3A_278, %swap3A_279], %swap3A_282 {strides = array<i32>} : memref<128x128xf32, #tpu.memory_space<vmem>>, vector<1x16xf32>,
      %get3A_283 = arith.index_cast %scan3A_223 : i32 to index
      %get3A_284 = arith.constant 80 : index
      %get3A_285 = tpu.vector_load %arg8[%get3A_283, %get3A_284] {strides = array<i32>} : memref<128x128xf32, #tpu.memory_space<vmem>>, vector<1x16xf32>,
      %get3A_286 = vector.shape_cast %get3A_285 : vector<1x16xf32> to vector<16xf32>
      %mul3A_287 = arith.constant 11.3137083 : f32
      %mul3A_288 = vector.broadcast %mul3A_287 : f32 to vector<16xf32>
      %mul3A_289 = arith.mulf %get3A_286, %mul3A_288 : vector<16xf32>
      %swap3A_290 = arith.index_cast %scan3A_223 : i32 to index
      %swap3A_291 = arith.constant 80 : index
      %swap3A_292 = tpu.vector_load %arg11[%swap3A_290, %swap3A_291] {strides = array<i32>} : memref<128x128xf32, #tpu.memory_space<vmem>>, vector<1x16xf32>,
      %swap3A_293 = vector.shape_cast %swap3A_292 : vector<1x16xf32> to vector<16xf32>
      %swap3A_294 = vector.shape_cast %mul3A_289 : vector<16xf32> to vector<1x16xf32>
      tpu.vector_store %arg11[%swap3A_290, %swap3A_291], %swap3A_294 {strides = array<i32>} : memref<128x128xf32, #tpu.memory_space<vmem>>, vector<1x16xf32>,
      %get3A_295 = arith.index_cast %scan3A_223 : i32 to index
      %get3A_296 = arith.constant 96 : index
      %get3A_297 = tpu.vector_load %arg8[%get3A_295, %get3A_296] {strides = array<i32>} : memref<128x128xf32, #tpu.memory_space<vmem>>, vector<1x16xf32>,
      %get3A_298 = vector.shape_cast %get3A_297 : vector<1x16xf32> to vector<16xf32>
      %mul3A_299 = arith.constant 11.3137083 : f32
      %mul3A_300 = vector.broadcast %mul3A_299 : f32 to vector<16xf32>
      %mul3A_301 = arith.mulf %get3A_298, %mul3A_300 : vector<16xf32>
      %swap3A_302 = arith.index_cast %scan3A_223 : i32 to index
      %swap3A_303 = arith.constant 96 : index
      %swap3A_304 = tpu.vector_load %arg11[%swap3A_302, %swap3A_303] {strides = array<i32>} : memref<128x128xf32, #tpu.memory_space<vmem>>, vector<1x16xf32>,
      %swap3A_305 = vector.shape_cast %swap3A_304 : vector<1x16xf32> to vector<16xf32>
      %swap3A_306 = vector.shape_cast %mul3A_301 : vector<16xf32> to vector<1x16xf32>
      tpu.vector_store %arg11[%swap3A_302, %swap3A_303], %swap3A_306 {strides = array<i32>} : memref<128x128xf32, #tpu.memory_space<vmem>>, vector<1x16xf32>,
      %get3A_307 = arith.index_cast %scan3A_223 : i32 to index
      %get3A_308 = arith.constant 112 : index
      %get3A_309 = tpu.vector_load %arg8[%get3A_307, %get3A_308] {strides = array<i32>} : memref<128x128xf32, #tpu.memory_space<vmem>>, vector<1x16xf32>,
      %get3A_310 = vector.shape_cast %get3A_309 : vector<1x16xf32> to vector<16xf32>
      %mul3A_311 = arith.constant 11.3137083 : f32
      %mul3A_312 = vector.broadcast %mul3A_311 : f32 to vector<16xf32>
      %mul3A_313 = arith.mulf %get3A_310, %mul3A_312 : vector<16xf32>
      %swap3A_314 = arith.index_cast %scan3A_223 : i32 to index
      %swap3A_315 = arith.constant 112 : index
      %swap3A_316 = tpu.vector_load %arg11[%swap3A_314, %swap3A_315] {strides = array<i32>} : memref<128x128xf32, #tpu.memory_space<vmem>>, vector<1x16xf32>,
      %swap3A_317 = vector.shape_cast %swap3A_316 : vector<1x16xf32> to vector<16xf32>
      %swap3A_318 = vector.shape_cast %mul3A_313 : vector<16xf32> to vector<1x16xf32>
      tpu.vector_store %arg11[%swap3A_314, %swap3A_315], %swap3A_318 {strides = array<i32>} : memref<128x128xf32, #tpu.memory_space<vmem>>, vector<1x16xf32>,
      %scan3A_319 = arith.constant 0 : i32
      scf.yield %scan3A_319 : i32
    }
    %scan3A_72 = arith.constant 128 : i32
    %dma_start3A_73 = arith.constant 640 : i32
    %dma_start3A_74 = tpu.memref_slice %arg5[%dma_start3A_73] : memref<6400xi32, #tpu.memory_space<vmem>> -> memref<128xi32, #tpu.memory_space<vmem>>
    %dma_start3A_75 = arith.constant 0 : i32
    %dma_start3A_76 = arith.constant 0 : i32
    %dma_start3A_77 = tpu.memref_slice %arg3[%dma_start3A_75, %dma_start3A_76] : memref<100000x128xf32, #tpu.memory_space<hbm>> -> memref<100000x128xf32, #tpu.memory_space<hbm>>
    tpu.enqueue_indirect_dma source(%dma_start3A_77 : memref<100000x128xf32, #tpu.memory_space<hbm>>) target(%arg8 : memref<128x128xf32, #tpu.memory_space<vmem>>) offsets(%dma_start3A_74 : memref<128xi32, #tpu.memory_space<vmem>>) semaphore(%arg14 : memref<!tpu.dma_semaphore, #tpu.memory_space<semaphore_mem>>)
    %add3A_78 = arith.constant 256 : i32
    %add3A_79 = arith.addi %mul3A_2, %add3A_78 : i32
    %dma_start3A_80 = arith.constant 0 : i32
    %dma_start3A_81 = tpu.memref_slice %arg4[%add3A_79, %dma_start3A_80] : memref<204800x128xf32, #tpu.memory_space<hbm>> -> memref<128x128xf32, #tpu.memory_space<hbm>>
    %dma_start3A_82 = arith.constant 0 : i32
    %dma_start3A_83 = tpu.memref_slice %arg4[%add3A_79, %dma_start3A_82] : memref<204800x128xf32, #tpu.memory_space<hbm>> -> memref<128x128xf32, #tpu.memory_space<hbm>>
    tpu.enqueue_dma source(%arg11 : memref<128x128xf32, #tpu.memory_space<vmem>>) target(%dma_start3A_83 : memref<128x128xf32, #tpu.memory_space<hbm>>) target_semaphore(%arg17 : memref<!tpu.dma_semaphore, #tpu.memory_space<semaphore_mem>>)
    %scan3A_84 = arith.constant 0 : i32
    %scan3A_85 = arith.constant 1 : i32
    %scan3A_86 = arith.constant 14 : i32
    %scan3A_87 = arith.addi %scan3A_85, %scan3A_86 : i32
    %scan3A_88 = arith.constant 1 : i32
    %scan3A_89 = scf.for %scan3A_223 = %scan3A_85 to %scan3A_87 step %scan3A_88 iter_args(%scan3A_224 = %scan3A_84) -> (i32)  : i32 {
      %mul3A_225 = arith.constant 3 : i32
      %mul3A_226 = arith.muli %scan3A_223, %mul3A_225 : i32
      %add3A_227 = arith.constant 0 : i32
      %add3A_228 = arith.addi %mul3A_226, %add3A_227 : i32
      %mul3A_229 = arith.constant 128 : i32
      %mul3A_230 = arith.muli %add3A_228, %mul3A_229 : i32
      %dma_wait3A_231 = tpu.memref_slice %arg5[%mul3A_230] : memref<6400xi32, #tpu.memory_space<vmem>> -> memref<128xi32, #tpu.memory_space<vmem>>
      %dma_wait3A_232 = arith.constant 0 : i32
      %dma_wait3A_233 = arith.constant 0 : i32
      %dma_wait3A_234 = tpu.memref_slice %arg3[%dma_wait3A_232, %dma_wait3A_233] : memref<100000x128xf32, #tpu.memory_space<hbm>> -> memref<100000x128xf32, #tpu.memory_space<hbm>>
      tpu.wait_indirect_dma semaphore(%arg12 : memref<!tpu.dma_semaphore, #tpu.memory_space<semaphore_mem>>) src(%dma_wait3A_234 : memref<100000x128xf32, #tpu.memory_space<hbm>>) dst(%arg6 : memref<128x128xf32, #tpu.memory_space<vmem>>)
      %dma_wait3A_235 = arith.constant 0 : i32
      %dma_wait3A_236 = tpu.memref_slice %arg4[%mul3A_2, %dma_wait3A_235] : memref<204800x128xf32, #tpu.memory_space<hbm>> -> memref<128x128xf32, #tpu.memory_space<hbm>>
      %dma_wait3A_237 = arith.constant 0 : i32
      %dma_wait3A_238 = tpu.memref_slice %arg4[%mul3A_2, %dma_wait3A_237] : memref<204800x128xf32, #tpu.memory_space<hbm>> -> memref<128x128xf32, #tpu.memory_space<hbm>>
      tpu.wait_dma2 semaphore(%arg15 : memref<!tpu.dma_semaphore, #tpu.memory_space<semaphore_mem>>) src(%arg9 : memref<128x128xf32, #tpu.memory_space<vmem>>) dst(%dma_wait3A_238 : memref<128x128xf32, #tpu.memory_space<hbm>>)
      %scan3A_239 = arith.constant 0 : i32
      %scan3A_240 = arith.constant 0 : i32
      %scan3A_241 = arith.constant 128 : i32
      %scan3A_242 = arith.addi %scan3A_240, %scan3A_241 : i32
      %scan3A_243 = arith.constant 1 : i32
      %scan3A_244 = scf.for %scan3A_330 = %scan3A_240 to %scan3A_242 step %scan3A_243 iter_args(%scan3A_331 = %scan3A_239) -> (i32)  : i32 {
        %get3A = arith.index_cast %scan3A_330 : i32 to index
        %get3A_332 = arith.constant 0 : index
        %get3A_333 = tpu.vector_load %arg6[%get3A, %get3A_332] {strides = array<i32>} : memref<128x128xf32, #tpu.memory_space<vmem>>, vector<1x16xf32>,
        %get3A_334 = vector.shape_cast %get3A_333 : vector<1x16xf32> to vector<16xf32>
        %mul3A_335 = arith.constant 11.3137083 : f32
        %mul3A_336 = vector.broadcast %mul3A_335 : f32 to vector<16xf32>
        %mul3A_337 = arith.mulf %get3A_334, %mul3A_336 : vector<16xf32>
        %swap3A = arith.index_cast %scan3A_330 : i32 to index
        %swap3A_338 = arith.constant 0 : index
        %swap3A_339 = tpu.vector_load %arg9[%swap3A, %swap3A_338] {strides = array<i32>} : memref<128x128xf32, #tpu.memory_space<vmem>>, vector<1x16xf32>,
        %swap3A_340 = vector.shape_cast %swap3A_339 : vector<1x16xf32> to vector<16xf32>
        %swap3A_341 = vector.shape_cast %mul3A_337 : vector<16xf32> to vector<1x16xf32>
        tpu.vector_store %arg9[%swap3A, %swap3A_338], %swap3A_341 {strides = array<i32>} : memref<128x128xf32, #tpu.memory_space<vmem>>, vector<1x16xf32>,
        %get3A_342 = arith.index_cast %scan3A_330 : i32 to index
        %get3A_343 = arith.constant 16 : index
        %get3A_344 = tpu.vector_load %arg6[%get3A_342, %get3A_343] {strides = array<i32>} : memref<128x128xf32, #tpu.memory_space<vmem>>, vector<1x16xf32>,
        %get3A_345 = vector.shape_cast %get3A_344 : vector<1x16xf32> to vector<16xf32>
        %mul3A_346 = arith.constant 11.3137083 : f32
        %mul3A_347 = vector.broadcast %mul3A_346 : f32 to vector<16xf32>
        %mul3A_348 = arith.mulf %get3A_345, %mul3A_347 : vector<16xf32>
        %swap3A_349 = arith.index_cast %scan3A_330 : i32 to index
        %swap3A_350 = arith.constant 16 : index
        %swap3A_351 = tpu.vector_load %arg9[%swap3A_349, %swap3A_350] {strides = array<i32>} : memref<128x128xf32, #tpu.memory_space<vmem>>, vector<1x16xf32>,
        %swap3A_352 = vector.shape_cast %swap3A_351 : vector<1x16xf32> to vector<16xf32>
        %swap3A_353 = vector.shape_cast %mul3A_348 : vector<16xf32> to vector<1x16xf32>
        tpu.vector_store %arg9[%swap3A_349, %swap3A_350], %swap3A_353 {strides = array<i32>} : memref<128x128xf32, #tpu.memory_space<vmem>>, vector<1x16xf32>,
        %get3A_354 = arith.index_cast %scan3A_330 : i32 to index
        %get3A_355 = arith.constant 32 : index
        %get3A_356 = tpu.vector_load %arg6[%get3A_354, %get3A_355] {strides = array<i32>} : memref<128x128xf32, #tpu.memory_space<vmem>>, vector<1x16xf32>,
        %get3A_357 = vector.shape_cast %get3A_356 : vector<1x16xf32> to vector<16xf32>
        %mul3A_358 = arith.constant 11.3137083 : f32
        %mul3A_359 = vector.broadcast %mul3A_358 : f32 to vector<16xf32>
        %mul3A_360 = arith.mulf %get3A_357, %mul3A_359 : vector<16xf32>
        %swap3A_361 = arith.index_cast %scan3A_330 : i32 to index
        %swap3A_362 = arith.constant 32 : index
        %swap3A_363 = tpu.vector_load %arg9[%swap3A_361, %swap3A_362] {strides = array<i32>} : memref<128x128xf32, #tpu.memory_space<vmem>>, vector<1x16xf32>,
        %swap3A_364 = vector.shape_cast %swap3A_363 : vector<1x16xf32> to vector<16xf32>
        %swap3A_365 = vector.shape_cast %mul3A_360 : vector<16xf32> to vector<1x16xf32>
        tpu.vector_store %arg9[%swap3A_361, %swap3A_362], %swap3A_365 {strides = array<i32>} : memref<128x128xf32, #tpu.memory_space<vmem>>, vector<1x16xf32>,
        %get3A_366 = arith.index_cast %scan3A_330 : i32 to index
        %get3A_367 = arith.constant 48 : index
        %get3A_368 = tpu.vector_load %arg6[%get3A_366, %get3A_367] {strides = array<i32>} : memref<128x128xf32, #tpu.memory_space<vmem>>, vector<1x16xf32>,
        %get3A_369 = vector.shape_cast %get3A_368 : vector<1x16xf32> to vector<16xf32>
        %mul3A_370 = arith.constant 11.3137083 : f32
        %mul3A_371 = vector.broadcast %mul3A_370 : f32 to vector<16xf32>
        %mul3A_372 = arith.mulf %get3A_369, %mul3A_371 : vector<16xf32>
        %swap3A_373 = arith.index_cast %scan3A_330 : i32 to index
        %swap3A_374 = arith.constant 48 : index
        %swap3A_375 = tpu.vector_load %arg9[%swap3A_373, %swap3A_374] {strides = array<i32>} : memref<128x128xf32, #tpu.memory_space<vmem>>, vector<1x16xf32>,
        %swap3A_376 = vector.shape_cast %swap3A_375 : vector<1x16xf32> to vector<16xf32>
        %swap3A_377 = vector.shape_cast %mul3A_372 : vector<16xf32> to vector<1x16xf32>
        tpu.vector_store %arg9[%swap3A_373, %swap3A_374], %swap3A_377 {strides = array<i32>} : memref<128x128xf32, #tpu.memory_space<vmem>>, vector<1x16xf32>,
        %get3A_378 = arith.index_cast %scan3A_330 : i32 to index
        %get3A_379 = arith.constant 64 : index
        %get3A_380 = tpu.vector_load %arg6[%get3A_378, %get3A_379] {strides = array<i32>} : memref<128x128xf32, #tpu.memory_space<vmem>>, vector<1x16xf32>,
        %get3A_381 = vector.shape_cast %get3A_380 : vector<1x16xf32> to vector<16xf32>
        %mul3A_382 = arith.constant 11.3137083 : f32
        %mul3A_383 = vector.broadcast %mul3A_382 : f32 to vector<16xf32>
        %mul3A_384 = arith.mulf %get3A_381, %mul3A_383 : vector<16xf32>
        %swap3A_385 = arith.index_cast %scan3A_330 : i32 to index
        %swap3A_386 = arith.constant 64 : index
        %swap3A_387 = tpu.vector_load %arg9[%swap3A_385, %swap3A_386] {strides = array<i32>} : memref<128x128xf32, #tpu.memory_space<vmem>>, vector<1x16xf32>,
        %swap3A_388 = vector.shape_cast %swap3A_387 : vector<1x16xf32> to vector<16xf32>
        %swap3A_389 = vector.shape_cast %mul3A_384 : vector<16xf32> to vector<1x16xf32>
        tpu.vector_store %arg9[%swap3A_385, %swap3A_386], %swap3A_389 {strides = array<i32>} : memref<128x128xf32, #tpu.memory_space<vmem>>, vector<1x16xf32>,
        %get3A_390 = arith.index_cast %scan3A_330 : i32 to index
        %get3A_391 = arith.constant 80 : index
        %get3A_392 = tpu.vector_load %arg6[%get3A_390, %get3A_391] {strides = array<i32>} : memref<128x128xf32, #tpu.memory_space<vmem>>, vector<1x16xf32>,
        %get3A_393 = vector.shape_cast %get3A_392 : vector<1x16xf32> to vector<16xf32>
        %mul3A_394 = arith.constant 11.3137083 : f32
        %mul3A_395 = vector.broadcast %mul3A_394 : f32 to vector<16xf32>
        %mul3A_396 = arith.mulf %get3A_393, %mul3A_395 : vector<16xf32>
        %swap3A_397 = arith.index_cast %scan3A_330 : i32 to index
        %swap3A_398 = arith.constant 80 : index
        %swap3A_399 = tpu.vector_load %arg9[%swap3A_397, %swap3A_398] {strides = array<i32>} : memref<128x128xf32, #tpu.memory_space<vmem>>, vector<1x16xf32>,
        %swap3A_400 = vector.shape_cast %swap3A_399 : vector<1x16xf32> to vector<16xf32>
        %swap3A_401 = vector.shape_cast %mul3A_396 : vector<16xf32> to vector<1x16xf32>
        tpu.vector_store %arg9[%swap3A_397, %swap3A_398], %swap3A_401 {strides = array<i32>} : memref<128x128xf32, #tpu.memory_space<vmem>>, vector<1x16xf32>,
        %get3A_402 = arith.index_cast %scan3A_330 : i32 to index
        %get3A_403 = arith.constant 96 : index
        %get3A_404 = tpu.vector_load %arg6[%get3A_402, %get3A_403] {strides = array<i32>} : memref<128x128xf32, #tpu.memory_space<vmem>>, vector<1x16xf32>,
        %get3A_405 = vector.shape_cast %get3A_404 : vector<1x16xf32> to vector<16xf32>
        %mul3A_406 = arith.constant 11.3137083 : f32
        %mul3A_407 = vector.broadcast %mul3A_406 : f32 to vector<16xf32>
        %mul3A_408 = arith.mulf %get3A_405, %mul3A_407 : vector<16xf32>
        %swap3A_409 = arith.index_cast %scan3A_330 : i32 to index
        %swap3A_410 = arith.constant 96 : index
        %swap3A_411 = tpu.vector_load %arg9[%swap3A_409, %swap3A_410] {strides = array<i32>} : memref<128x128xf32, #tpu.memory_space<vmem>>, vector<1x16xf32>,
        %swap3A_412 = vector.shape_cast %swap3A_411 : vector<1x16xf32> to vector<16xf32>
        %swap3A_413 = vector.shape_cast %mul3A_408 : vector<16xf32> to vector<1x16xf32>
        tpu.vector_store %arg9[%swap3A_409, %swap3A_410], %swap3A_413 {strides = array<i32>} : memref<128x128xf32, #tpu.memory_space<vmem>>, vector<1x16xf32>,
        %get3A_414 = arith.index_cast %scan3A_330 : i32 to index
        %get3A_415 = arith.constant 112 : index
        %get3A_416 = tpu.vector_load %arg6[%get3A_414, %get3A_415] {strides = array<i32>} : memref<128x128xf32, #tpu.memory_space<vmem>>, vector<1x16xf32>,
        %get3A_417 = vector.shape_cast %get3A_416 : vector<1x16xf32> to vector<16xf32>
        %mul3A_418 = arith.constant 11.3137083 : f32
        %mul3A_419 = vector.broadcast %mul3A_418 : f32 to vector<16xf32>
        %mul3A_420 = arith.mulf %get3A_417, %mul3A_419 : vector<16xf32>
        %swap3A_421 = arith.index_cast %scan3A_330 : i32 to index
        %swap3A_422 = arith.constant 112 : index
        %swap3A_423 = tpu.vector_load %arg9[%swap3A_421, %swap3A_422] {strides = array<i32>} : memref<128x128xf32, #tpu.memory_space<vmem>>, vector<1x16xf32>,
        %swap3A_424 = vector.shape_cast %swap3A_423 : vector<1x16xf32> to vector<16xf32>
        %swap3A_425 = vector.shape_cast %mul3A_420 : vector<16xf32> to vector<1x16xf32>
        tpu.vector_store %arg9[%swap3A_421, %swap3A_422], %swap3A_425 {strides = array<i32>} : memref<128x128xf32, #tpu.memory_space<vmem>>, vector<1x16xf32>,
        %scan3A_426 = arith.constant 0 : i32
        scf.yield %scan3A_426 : i32
      }
      %scan3A_245 = arith.constant 128 : i32
      %add3A_246 = arith.constant 3 : i32
      %add3A_247 = arith.addi %add3A_228, %add3A_246 : i32
      %mul3A_248 = arith.constant 128 : i32
      %mul3A_249 = arith.muli %add3A_247, %mul3A_248 : i32
      %dma_start3A_250 = tpu.memref_slice %arg5[%mul3A_249] : memref<6400xi32, #tpu.memory_space<vmem>> -> memref<128xi32, #tpu.memory_space<vmem>>
      %dma_start3A_251 = arith.constant 0 : i32
      %dma_start3A_252 = arith.constant 0 : i32
      %dma_start3A_253 = tpu.memref_slice %arg3[%dma_start3A_251, %dma_start3A_252] : memref<100000x128xf32, #tpu.memory_space<hbm>> -> memref<100000x128xf32, #tpu.memory_space<hbm>>
      tpu.enqueue_indirect_dma source(%dma_start3A_253 : memref<100000x128xf32, #tpu.memory_space<hbm>>) target(%arg6 : memref<128x128xf32, #tpu.memory_space<vmem>>) offsets(%dma_start3A_250 : memref<128xi32, #tpu.memory_space<vmem>>) semaphore(%arg12 : memref<!tpu.dma_semaphore, #tpu.memory_space<semaphore_mem>>)
      %mul3A_254 = arith.constant 128 : i32
      %mul3A_255 = arith.muli %add3A_228, %mul3A_254 : i32
      %add3A_256 = arith.addi %mul3A_2, %mul3A_255 : i32
      %dma_start3A_257 = arith.constant 0 : i32
      %dma_start3A_258 = tpu.memref_slice %arg4[%add3A_256, %dma_start3A_257] : memref<204800x128xf32, #tpu.memory_space<hbm>> -> memref<128x128xf32, #tpu.memory_space<hbm>>
      %dma_start3A_259 = arith.constant 0 : i32
      %dma_start3A_260 = tpu.memref_slice %arg4[%add3A_256, %dma_start3A_259] : memref<204800x128xf32, #tpu.memory_space<hbm>> -> memref<128x128xf32, #tpu.memory_space<hbm>>
      tpu.enqueue_dma source(%arg9 : memref<128x128xf32, #tpu.memory_space<vmem>>) target(%dma_start3A_260 : memref<128x128xf32, #tpu.memory_space<hbm>>) target_semaphore(%arg15 : memref<!tpu.dma_semaphore, #tpu.memory_space<semaphore_mem>>)
      %add3A_261 = arith.constant 1 : i32
      %add3A_262 = arith.addi %mul3A_226, %add3A_261 : i32
      %mul3A_263 = arith.constant 128 : i32
      %mul3A_264 = arith.muli %add3A_262, %mul3A_263 : i32
      %dma_wait3A_265 = tpu.memref_slice %arg5[%mul3A_264] : memref<6400xi32, #tpu.memory_space<vmem>> -> memref<128xi32, #tpu.memory_space<vmem>>
      %dma_wait3A_266 = arith.constant 0 : i32
      %dma_wait3A_267 = arith.constant 0 : i32
      %dma_wait3A_268 = tpu.memref_slice %arg3[%dma_wait3A_266, %dma_wait3A_267] : memref<100000x128xf32, #tpu.memory_space<hbm>> -> memref<100000x128xf32, #tpu.memory_space<hbm>>
      tpu.wait_indirect_dma semaphore(%arg13 : memref<!tpu.dma_semaphore, #tpu.memory_space<semaphore_mem>>) src(%dma_wait3A_268 : memref<100000x128xf32, #tpu.memory_space<hbm>>) dst(%arg7 : memref<128x128xf32, #tpu.memory_space<vmem>>)
      %dma_wait3A_269 = arith.constant 0 : i32
      %dma_wait3A_270 = tpu.memref_slice %arg4[%mul3A_2, %dma_wait3A_269] : memref<204800x128xf32, #tpu.memory_space<hbm>> -> memref<128x128xf32, #tpu.memory_space<hbm>>
      %dma_wait3A_271 = arith.constant 0 : i32
      %dma_wait3A_272 = tpu.memref_slice %arg4[%mul3A_2, %dma_wait3A_271] : memref<204800x128xf32, #tpu.memory_space<hbm>> -> memref<128x128xf32, #tpu.memory_space<hbm>>
      tpu.wait_dma2 semaphore(%arg16 : memref<!tpu.dma_semaphore, #tpu.memory_space<semaphore_mem>>) src(%arg10 : memref<128x128xf32, #tpu.memory_space<vmem>>) dst(%dma_wait3A_272 : memref<128x128xf32, #tpu.memory_space<hbm>>)
      %scan3A_273 = arith.constant 0 : i32
      %scan3A_274 = arith.constant 0 : i32
      %scan3A_275 = arith.constant 128 : i32
      %scan3A_276 = arith.addi %scan3A_274, %scan3A_275 : i32
      %scan3A_277 = arith.constant 1 : i32
      %scan3A_278 = scf.for %scan3A_330 = %scan3A_274 to %scan3A_276 step %scan3A_277 iter_args(%scan3A_331 = %scan3A_273) -> (i32)  : i32 {
        %get3A = arith.index_cast %scan3A_330 : i32 to index
        %get3A_332 = arith.constant 0 : index
        %get3A_333 = tpu.vector_load %arg7[%get3A, %get3A_332] {strides = array<i32>} : memref<128x128xf32, #tpu.memory_space<vmem>>, vector<1x16xf32>,
        %get3A_334 = vector.shape_cast %get3A_333 : vector<1x16xf32> to vector<16xf32>
        %mul3A_335 = arith.constant 11.3137083 : f32
        %mul3A_336 = vector.broadcast %mul3A_335 : f32 to vector<16xf32>
        %mul3A_337 = arith.mulf %get3A_334, %mul3A_336 : vector<16xf32>
        %swap3A = arith.index_cast %scan3A_330 : i32 to index
        %swap3A_338 = arith.constant 0 : index
        %swap3A_339 = tpu.vector_load %arg10[%swap3A, %swap3A_338] {strides = array<i32>} : memref<128x128xf32, #tpu.memory_space<vmem>>, vector<1x16xf32>,
        %swap3A_340 = vector.shape_cast %swap3A_339 : vector<1x16xf32> to vector<16xf32>
        %swap3A_341 = vector.shape_cast %mul3A_337 : vector<16xf32> to vector<1x16xf32>
        tpu.vector_store %arg10[%swap3A, %swap3A_338], %swap3A_341 {strides = array<i32>} : memref<128x128xf32, #tpu.memory_space<vmem>>, vector<1x16xf32>,
        %get3A_342 = arith.index_cast %scan3A_330 : i32 to index
        %get3A_343 = arith.constant 16 : index
        %get3A_344 = tpu.vector_load %arg7[%get3A_342, %get3A_343] {strides = array<i32>} : memref<128x128xf32, #tpu.memory_space<vmem>>, vector<1x16xf32>,
        %get3A_345 = vector.shape_cast %get3A_344 : vector<1x16xf32> to vector<16xf32>
        %mul3A_346 = arith.constant 11.3137083 : f32
        %mul3A_347 = vector.broadcast %mul3A_346 : f32 to vector<16xf32>
        %mul3A_348 = arith.mulf %get3A_345, %mul3A_347 : vector<16xf32>
        %swap3A_349 = arith.index_cast %scan3A_330 : i32 to index
        %swap3A_350 = arith.constant 16 : index
        %swap3A_351 = tpu.vector_load %arg10[%swap3A_349, %swap3A_350] {strides = array<i32>} : memref<128x128xf32, #tpu.memory_space<vmem>>, vector<1x16xf32>,
        %swap3A_352 = vector.shape_cast %swap3A_351 : vector<1x16xf32> to vector<16xf32>
        %swap3A_353 = vector.shape_cast %mul3A_348 : vector<16xf32> to vector<1x16xf32>
        tpu.vector_store %arg10[%swap3A_349, %swap3A_350], %swap3A_353 {strides = array<i32>} : memref<128x128xf32, #tpu.memory_space<vmem>>, vector<1x16xf32>,
        %get3A_354 = arith.index_cast %scan3A_330 : i32 to index
        %get3A_355 = arith.constant 32 : index
        %get3A_356 = tpu.vector_load %arg7[%get3A_354, %get3A_355] {strides = array<i32>} : memref<128x128xf32, #tpu.memory_space<vmem>>, vector<1x16xf32>,
        %get3A_357 = vector.shape_cast %get3A_356 : vector<1x16xf32> to vector<16xf32>
        %mul3A_358 = arith.constant 11.3137083 : f32
        %mul3A_359 = vector.broadcast %mul3A_358 : f32 to vector<16xf32>
        %mul3A_360 = arith.mulf %get3A_357, %mul3A_359 : vector<16xf32>
        %swap3A_361 = arith.index_cast %scan3A_330 : i32 to index
        %swap3A_362 = arith.constant 32 : index
        %swap3A_363 = tpu.vector_load %arg10[%swap3A_361, %swap3A_362] {strides = array<i32>} : memref<128x128xf32, #tpu.memory_space<vmem>>, vector<1x16xf32>,
        %swap3A_364 = vector.shape_cast %swap3A_363 : vector<1x16xf32> to vector<16xf32>
        %swap3A_365 = vector.shape_cast %mul3A_360 : vector<16xf32> to vector<1x16xf32>
        tpu.vector_store %arg10[%swap3A_361, %swap3A_362], %swap3A_365 {strides = array<i32>} : memref<128x128xf32, #tpu.memory_space<vmem>>, vector<1x16xf32>,
        %get3A_366 = arith.index_cast %scan3A_330 : i32 to index
        %get3A_367 = arith.constant 48 : index
        %get3A_368 = tpu.vector_load %arg7[%get3A_366, %get3A_367] {strides = array<i32>} : memref<128x128xf32, #tpu.memory_space<vmem>>, vector<1x16xf32>,
        %get3A_369 = vector.shape_cast %get3A_368 : vector<1x16xf32> to vector<16xf32>
        %mul3A_370 = arith.constant 11.3137083 : f32
        %mul3A_371 = vector.broadcast %mul3A_370 : f32 to vector<16xf32>
        %mul3A_372 = arith.mulf %get3A_369, %mul3A_371 : vector<16xf32>
        %swap3A_373 = arith.index_cast %scan3A_330 : i32 to index
        %swap3A_374 = arith.constant 48 : index
        %swap3A_375 = tpu.vector_load %arg10[%swap3A_373, %swap3A_374] {strides = array<i32>} : memref<128x128xf32, #tpu.memory_space<vmem>>, vector<1x16xf32>,
        %swap3A_376 = vector.shape_cast %swap3A_375 : vector<1x16xf32> to vector<16xf32>
        %swap3A_377 = vector.shape_cast %mul3A_372 : vector<16xf32> to vector<1x16xf32>
        tpu.vector_store %arg10[%swap3A_373, %swap3A_374], %swap3A_377 {strides = array<i32>} : memref<128x128xf32, #tpu.memory_space<vmem>>, vector<1x16xf32>,
        %get3A_378 = arith.index_cast %scan3A_330 : i32 to index
        %get3A_379 = arith.constant 64 : index
        %get3A_380 = tpu.vector_load %arg7[%get3A_378, %get3A_379] {strides = array<i32>} : memref<128x128xf32, #tpu.memory_space<vmem>>, vector<1x16xf32>,
        %get3A_381 = vector.shape_cast %get3A_380 : vector<1x16xf32> to vector<16xf32>
        %mul3A_382 = arith.constant 11.3137083 : f32
        %mul3A_383 = vector.broadcast %mul3A_382 : f32 to vector<16xf32>
        %mul3A_384 = arith.mulf %get3A_381, %mul3A_383 : vector<16xf32>
        %swap3A_385 = arith.index_cast %scan3A_330 : i32 to index
        %swap3A_386 = arith.constant 64 : index
        %swap3A_387 = tpu.vector_load %arg10[%swap3A_385, %swap3A_386] {strides = array<i32>} : memref<128x128xf32, #tpu.memory_space<vmem>>, vector<1x16xf32>,
        %swap3A_388 = vector.shape_cast %swap3A_387 : vector<1x16xf32> to vector<16xf32>
        %swap3A_389 = vector.shape_cast %mul3A_384 : vector<16xf32> to vector<1x16xf32>
        tpu.vector_store %arg10[%swap3A_385, %swap3A_386], %swap3A_389 {strides = array<i32>} : memref<128x128xf32, #tpu.memory_space<vmem>>, vector<1x16xf32>,
        %get3A_390 = arith.index_cast %scan3A_330 : i32 to index
        %get3A_391 = arith.constant 80 : index
        %get3A_392 = tpu.vector_load %arg7[%get3A_390, %get3A_391] {strides = array<i32>} : memref<128x128xf32, #tpu.memory_space<vmem>>, vector<1x16xf32>,
        %get3A_393 = vector.shape_cast %get3A_392 : vector<1x16xf32> to vector<16xf32>
        %mul3A_394 = arith.constant 11.3137083 : f32
        %mul3A_395 = vector.broadcast %mul3A_394 : f32 to vector<16xf32>
        %mul3A_396 = arith.mulf %get3A_393, %mul3A_395 : vector<16xf32>
        %swap3A_397 = arith.index_cast %scan3A_330 : i32 to index
        %swap3A_398 = arith.constant 80 : index
        %swap3A_399 = tpu.vector_load %arg10[%swap3A_397, %swap3A_398] {strides = array<i32>} : memref<128x128xf32, #tpu.memory_space<vmem>>, vector<1x16xf32>,
        %swap3A_400 = vector.shape_cast %swap3A_399 : vector<1x16xf32> to vector<16xf32>
        %swap3A_401 = vector.shape_cast %mul3A_396 : vector<16xf32> to vector<1x16xf32>
        tpu.vector_store %arg10[%swap3A_397, %swap3A_398], %swap3A_401 {strides = array<i32>} : memref<128x128xf32, #tpu.memory_space<vmem>>, vector<1x16xf32>,
        %get3A_402 = arith.index_cast %scan3A_330 : i32 to index
        %get3A_403 = arith.constant 96 : index
        %get3A_404 = tpu.vector_load %arg7[%get3A_402, %get3A_403] {strides = array<i32>} : memref<128x128xf32, #tpu.memory_space<vmem>>, vector<1x16xf32>,
        %get3A_405 = vector.shape_cast %get3A_404 : vector<1x16xf32> to vector<16xf32>
        %mul3A_406 = arith.constant 11.3137083 : f32
        %mul3A_407 = vector.broadcast %mul3A_406 : f32 to vector<16xf32>
        %mul3A_408 = arith.mulf %get3A_405, %mul3A_407 : vector<16xf32>
        %swap3A_409 = arith.index_cast %scan3A_330 : i32 to index
        %swap3A_410 = arith.constant 96 : index
        %swap3A_411 = tpu.vector_load %arg10[%swap3A_409, %swap3A_410] {strides = array<i32>} : memref<128x128xf32, #tpu.memory_space<vmem>>, vector<1x16xf32>,
        %swap3A_412 = vector.shape_cast %swap3A_411 : vector<1x16xf32> to vector<16xf32>
        %swap3A_413 = vector.shape_cast %mul3A_408 : vector<16xf32> to vector<1x16xf32>
        tpu.vector_store %arg10[%swap3A_409, %swap3A_410], %swap3A_413 {strides = array<i32>} : memref<128x128xf32, #tpu.memory_space<vmem>>, vector<1x16xf32>,
        %get3A_414 = arith.index_cast %scan3A_330 : i32 to index
        %get3A_415 = arith.constant 112 : index
        %get3A_416 = tpu.vector_load %arg7[%get3A_414, %get3A_415] {strides = array<i32>} : memref<128x128xf32, #tpu.memory_space<vmem>>, vector<1x16xf32>,
        %get3A_417 = vector.shape_cast %get3A_416 : vector<1x16xf32> to vector<16xf32>
        %mul3A_418 = arith.constant 11.3137083 : f32
        %mul3A_419 = vector.broadcast %mul3A_418 : f32 to vector<16xf32>
        %mul3A_420 = arith.mulf %get3A_417, %mul3A_419 : vector<16xf32>
        %swap3A_421 = arith.index_cast %scan3A_330 : i32 to index
        %swap3A_422 = arith.constant 112 : index
        %swap3A_423 = tpu.vector_load %arg10[%swap3A_421, %swap3A_422] {strides = array<i32>} : memref<128x128xf32, #tpu.memory_space<vmem>>, vector<1x16xf32>,
        %swap3A_424 = vector.shape_cast %swap3A_423 : vector<1x16xf32> to vector<16xf32>
        %swap3A_425 = vector.shape_cast %mul3A_420 : vector<16xf32> to vector<1x16xf32>
        tpu.vector_store %arg10[%swap3A_421, %swap3A_422], %swap3A_425 {strides = array<i32>} : memref<128x128xf32, #tpu.memory_space<vmem>>, vector<1x16xf32>,
        %scan3A_426 = arith.constant 0 : i32
        scf.yield %scan3A_426 : i32
      }
      %scan3A_279 = arith.constant 128 : i32
      %add3A_280 = arith.constant 3 : i32
      %add3A_281 = arith.addi %add3A_262, %add3A_280 : i32
      %mul3A_282 = arith.constant 128 : i32
      %mul3A_283 = arith.muli %add3A_281, %mul3A_282 : i32
      %dma_start3A_284 = tpu.memref_slice %arg5[%mul3A_283] : memref<6400xi32, #tpu.memory_space<vmem>> -> memref<128xi32, #tpu.memory_space<vmem>>
      %dma_start3A_285 = arith.constant 0 : i32
      %dma_start3A_286 = arith.constant 0 : i32
      %dma_start3A_287 = tpu.memref_slice %arg3[%dma_start3A_285, %dma_start3A_286] : memref<100000x128xf32, #tpu.memory_space<hbm>> -> memref<100000x128xf32, #tpu.memory_space<hbm>>
      tpu.enqueue_indirect_dma source(%dma_start3A_287 : memref<100000x128xf32, #tpu.memory_space<hbm>>) target(%arg7 : memref<128x128xf32, #tpu.memory_space<vmem>>) offsets(%dma_start3A_284 : memref<128xi32, #tpu.memory_space<vmem>>) semaphore(%arg13 : memref<!tpu.dma_semaphore, #tpu.memory_space<semaphore_mem>>)
      %mul3A_288 = arith.constant 128 : i32
      %mul3A_289 = arith.muli %add3A_262, %mul3A_288 : i32
      %add3A_290 = arith.addi %mul3A_2, %mul3A_289 : i32
      %dma_start3A_291 = arith.constant 0 : i32
      %dma_start3A_292 = tpu.memref_slice %arg4[%add3A_290, %dma_start3A_291] : memref<204800x128xf32, #tpu.memory_space<hbm>> -> memref<128x128xf32, #tpu.memory_space<hbm>>
      %dma_start3A_293 = arith.constant 0 : i32
      %dma_start3A_294 = tpu.memref_slice %arg4[%add3A_290, %dma_start3A_293] : memref<204800x128xf32, #tpu.memory_space<hbm>> -> memref<128x128xf32, #tpu.memory_space<hbm>>
      tpu.enqueue_dma source(%arg10 : memref<128x128xf32, #tpu.memory_space<vmem>>) target(%dma_start3A_294 : memref<128x128xf32, #tpu.memory_space<hbm>>) target_semaphore(%arg16 : memref<!tpu.dma_semaphore, #tpu.memory_space<semaphore_mem>>)
      %add3A_295 = arith.constant 2 : i32
      %add3A_296 = arith.addi %mul3A_226, %add3A_295 : i32
      %mul3A_297 = arith.constant 128 : i32
      %mul3A_298 = arith.muli %add3A_296, %mul3A_297 : i32
      %dma_wait3A_299 = tpu.memref_slice %arg5[%mul3A_298] : memref<6400xi32, #tpu.memory_space<vmem>> -> memref<128xi32, #tpu.memory_space<vmem>>
      %dma_wait3A_300 = arith.constant 0 : i32
      %dma_wait3A_301 = arith.constant 0 : i32
      %dma_wait3A_302 = tpu.memref_slice %arg3[%dma_wait3A_300, %dma_wait3A_301] : memref<100000x128xf32, #tpu.memory_space<hbm>> -> memref<100000x128xf32, #tpu.memory_space<hbm>>
      tpu.wait_indirect_dma semaphore(%arg14 : memref<!tpu.dma_semaphore, #tpu.memory_space<semaphore_mem>>) src(%dma_wait3A_302 : memref<100000x128xf32, #tpu.memory_space<hbm>>) dst(%arg8 : memref<128x128xf32, #tpu.memory_space<vmem>>)
      %dma_wait3A_303 = arith.constant 0 : i32
      %dma_wait3A_304 = tpu.memref_slice %arg4[%mul3A_2, %dma_wait3A_303] : memref<204800x128xf32, #tpu.memory_space<hbm>> -> memref<128x128xf32, #tpu.memory_space<hbm>>
      %dma_wait3A_305 = arith.constant 0 : i32
      %dma_wait3A_306 = tpu.memref_slice %arg4[%mul3A_2, %dma_wait3A_305] : memref<204800x128xf32, #tpu.memory_space<hbm>> -> memref<128x128xf32, #tpu.memory_space<hbm>>
      tpu.wait_dma2 semaphore(%arg17 : memref<!tpu.dma_semaphore, #tpu.memory_space<semaphore_mem>>) src(%arg11 : memref<128x128xf32, #tpu.memory_space<vmem>>) dst(%dma_wait3A_306 : memref<128x128xf32, #tpu.memory_space<hbm>>)
      %scan3A_307 = arith.constant 0 : i32
      %scan3A_308 = arith.constant 0 : i32
      %scan3A_309 = arith.constant 128 : i32
      %scan3A_310 = arith.addi %scan3A_308, %scan3A_309 : i32
      %scan3A_311 = arith.constant 1 : i32
      %scan3A_312 = scf.for %scan3A_330 = %scan3A_308 to %scan3A_310 step %scan3A_311 iter_args(%scan3A_331 = %scan3A_307) -> (i32)  : i32 {
        %get3A = arith.index_cast %scan3A_330 : i32 to index
        %get3A_332 = arith.constant 0 : index
        %get3A_333 = tpu.vector_load %arg8[%get3A, %get3A_332] {strides = array<i32>} : memref<128x128xf32, #tpu.memory_space<vmem>>, vector<1x16xf32>,
        %get3A_334 = vector.shape_cast %get3A_333 : vector<1x16xf32> to vector<16xf32>
        %mul3A_335 = arith.constant 11.3137083 : f32
        %mul3A_336 = vector.broadcast %mul3A_335 : f32 to vector<16xf32>
        %mul3A_337 = arith.mulf %get3A_334, %mul3A_336 : vector<16xf32>
        %swap3A = arith.index_cast %scan3A_330 : i32 to index
        %swap3A_338 = arith.constant 0 : index
        %swap3A_339 = tpu.vector_load %arg11[%swap3A, %swap3A_338] {strides = array<i32>} : memref<128x128xf32, #tpu.memory_space<vmem>>, vector<1x16xf32>,
        %swap3A_340 = vector.shape_cast %swap3A_339 : vector<1x16xf32> to vector<16xf32>
        %swap3A_341 = vector.shape_cast %mul3A_337 : vector<16xf32> to vector<1x16xf32>
        tpu.vector_store %arg11[%swap3A, %swap3A_338], %swap3A_341 {strides = array<i32>} : memref<128x128xf32, #tpu.memory_space<vmem>>, vector<1x16xf32>,
        %get3A_342 = arith.index_cast %scan3A_330 : i32 to index
        %get3A_343 = arith.constant 16 : index
        %get3A_344 = tpu.vector_load %arg8[%get3A_342, %get3A_343] {strides = array<i32>} : memref<128x128xf32, #tpu.memory_space<vmem>>, vector<1x16xf32>,
        %get3A_345 = vector.shape_cast %get3A_344 : vector<1x16xf32> to vector<16xf32>
        %mul3A_346 = arith.constant 11.3137083 : f32
        %mul3A_347 = vector.broadcast %mul3A_346 : f32 to vector<16xf32>
        %mul3A_348 = arith.mulf %get3A_345, %mul3A_347 : vector<16xf32>
        %swap3A_349 = arith.index_cast %scan3A_330 : i32 to index
        %swap3A_350 = arith.constant 16 : index
        %swap3A_351 = tpu.vector_load %arg11[%swap3A_349, %swap3A_350] {strides = array<i32>} : memref<128x128xf32, #tpu.memory_space<vmem>>, vector<1x16xf32>,
        %swap3A_352 = vector.shape_cast %swap3A_351 : vector<1x16xf32> to vector<16xf32>
        %swap3A_353 = vector.shape_cast %mul3A_348 : vector<16xf32> to vector<1x16xf32>
        tpu.vector_store %arg11[%swap3A_349, %swap3A_350], %swap3A_353 {strides = array<i32>} : memref<128x128xf32, #tpu.memory_space<vmem>>, vector<1x16xf32>,
        %get3A_354 = arith.index_cast %scan3A_330 : i32 to index
        %get3A_355 = arith.constant 32 : index
        %get3A_356 = tpu.vector_load %arg8[%get3A_354, %get3A_355] {strides = array<i32>} : memref<128x128xf32, #tpu.memory_space<vmem>>, vector<1x16xf32>,
        %get3A_357 = vector.shape_cast %get3A_356 : vector<1x16xf32> to vector<16xf32>
        %mul3A_358 = arith.constant 11.3137083 : f32
        %mul3A_359 = vector.broadcast %mul3A_358 : f32 to vector<16xf32>
        %mul3A_360 = arith.mulf %get3A_357, %mul3A_359 : vector<16xf32>
        %swap3A_361 = arith.index_cast %scan3A_330 : i32 to index
        %swap3A_362 = arith.constant 32 : index
        %swap3A_363 = tpu.vector_load %arg11[%swap3A_361, %swap3A_362] {strides = array<i32>} : memref<128x128xf32, #tpu.memory_space<vmem>>, vector<1x16xf32>,
        %swap3A_364 = vector.shape_cast %swap3A_363 : vector<1x16xf32> to vector<16xf32>
        %swap3A_365 = vector.shape_cast %mul3A_360 : vector<16xf32> to vector<1x16xf32>
        tpu.vector_store %arg11[%swap3A_361, %swap3A_362], %swap3A_365 {strides = array<i32>} : memref<128x128xf32, #tpu.memory_space<vmem>>, vector<1x16xf32>,
        %get3A_366 = arith.index_cast %scan3A_330 : i32 to index
        %get3A_367 = arith.constant 48 : index
        %get3A_368 = tpu.vector_load %arg8[%get3A_366, %get3A_367] {strides = array<i32>} : memref<128x128xf32, #tpu.memory_space<vmem>>, vector<1x16xf32>,
        %get3A_369 = vector.shape_cast %get3A_368 : vector<1x16xf32> to vector<16xf32>
        %mul3A_370 = arith.constant 11.3137083 : f32
        %mul3A_371 = vector.broadcast %mul3A_370 : f32 to vector<16xf32>
        %mul3A_372 = arith.mulf %get3A_369, %mul3A_371 : vector<16xf32>
        %swap3A_373 = arith.index_cast %scan3A_330 : i32 to index
        %swap3A_374 = arith.constant 48 : index
        %swap3A_375 = tpu.vector_load %arg11[%swap3A_373, %swap3A_374] {strides = array<i32>} : memref<128x128xf32, #tpu.memory_space<vmem>>, vector<1x16xf32>,
        %swap3A_376 = vector.shape_cast %swap3A_375 : vector<1x16xf32> to vector<16xf32>
        %swap3A_377 = vector.shape_cast %mul3A_372 : vector<16xf32> to vector<1x16xf32>
        tpu.vector_store %arg11[%swap3A_373, %swap3A_374], %swap3A_377 {strides = array<i32>} : memref<128x128xf32, #tpu.memory_space<vmem>>, vector<1x16xf32>,
        %get3A_378 = arith.index_cast %scan3A_330 : i32 to index
        %get3A_379 = arith.constant 64 : index
        %get3A_380 = tpu.vector_load %arg8[%get3A_378, %get3A_379] {strides = array<i32>} : memref<128x128xf32, #tpu.memory_space<vmem>>, vector<1x16xf32>,
        %get3A_381 = vector.shape_cast %get3A_380 : vector<1x16xf32> to vector<16xf32>
        %mul3A_382 = arith.constant 11.3137083 : f32
        %mul3A_383 = vector.broadcast %mul3A_382 : f32 to vector<16xf32>
        %mul3A_384 = arith.mulf %get3A_381, %mul3A_383 : vector<16xf32>
        %swap3A_385 = arith.index_cast %scan3A_330 : i32 to index
        %swap3A_386 = arith.constant 64 : index
        %swap3A_387 = tpu.vector_load %arg11[%swap3A_385, %swap3A_386] {strides = array<i32>} : memref<128x128xf32, #tpu.memory_space<vmem>>, vector<1x16xf32>,
        %swap3A_388 = vector.shape_cast %swap3A_387 : vector<1x16xf32> to vector<16xf32>
        %swap3A_389 = vector.shape_cast %mul3A_384 : vector<16xf32> to vector<1x16xf32>
        tpu.vector_store %arg11[%swap3A_385, %swap3A_386], %swap3A_389 {strides = array<i32>} : memref<128x128xf32, #tpu.memory_space<vmem>>, vector<1x16xf32>,
        %get3A_390 = arith.index_cast %scan3A_330 : i32 to index
        %get3A_391 = arith.constant 80 : index
        %get3A_392 = tpu.vector_load %arg8[%get3A_390, %get3A_391] {strides = array<i32>} : memref<128x128xf32, #tpu.memory_space<vmem>>, vector<1x16xf32>,
        %get3A_393 = vector.shape_cast %get3A_392 : vector<1x16xf32> to vector<16xf32>
        %mul3A_394 = arith.constant 11.3137083 : f32
        %mul3A_395 = vector.broadcast %mul3A_394 : f32 to vector<16xf32>
        %mul3A_396 = arith.mulf %get3A_393, %mul3A_395 : vector<16xf32>
        %swap3A_397 = arith.index_cast %scan3A_330 : i32 to index
        %swap3A_398 = arith.constant 80 : index
        %swap3A_399 = tpu.vector_load %arg11[%swap3A_397, %swap3A_398] {strides = array<i32>} : memref<128x128xf32, #tpu.memory_space<vmem>>, vector<1x16xf32>,
        %swap3A_400 = vector.shape_cast %swap3A_399 : vector<1x16xf32> to vector<16xf32>
        %swap3A_401 = vector.shape_cast %mul3A_396 : vector<16xf32> to vector<1x16xf32>
        tpu.vector_store %arg11[%swap3A_397, %swap3A_398], %swap3A_401 {strides = array<i32>} : memref<128x128xf32, #tpu.memory_space<vmem>>, vector<1x16xf32>,
        %get3A_402 = arith.index_cast %scan3A_330 : i32 to index
        %get3A_403 = arith.constant 96 : index
        %get3A_404 = tpu.vector_load %arg8[%get3A_402, %get3A_403] {strides = array<i32>} : memref<128x128xf32, #tpu.memory_space<vmem>>, vector<1x16xf32>,
        %get3A_405 = vector.shape_cast %get3A_404 : vector<1x16xf32> to vector<16xf32>
        %mul3A_406 = arith.constant 11.3137083 : f32
        %mul3A_407 = vector.broadcast %mul3A_406 : f32 to vector<16xf32>
        %mul3A_408 = arith.mulf %get3A_405, %mul3A_407 : vector<16xf32>
        %swap3A_409 = arith.index_cast %scan3A_330 : i32 to index
        %swap3A_410 = arith.constant 96 : index
        %swap3A_411 = tpu.vector_load %arg11[%swap3A_409, %swap3A_410] {strides = array<i32>} : memref<128x128xf32, #tpu.memory_space<vmem>>, vector<1x16xf32>,
        %swap3A_412 = vector.shape_cast %swap3A_411 : vector<1x16xf32> to vector<16xf32>
        %swap3A_413 = vector.shape_cast %mul3A_408 : vector<16xf32> to vector<1x16xf32>
        tpu.vector_store %arg11[%swap3A_409, %swap3A_410], %swap3A_413 {strides = array<i32>} : memref<128x128xf32, #tpu.memory_space<vmem>>, vector<1x16xf32>,
        %get3A_414 = arith.index_cast %scan3A_330 : i32 to index
        %get3A_415 = arith.constant 112 : index
        %get3A_416 = tpu.vector_load %arg8[%get3A_414, %get3A_415] {strides = array<i32>} : memref<128x128xf32, #tpu.memory_space<vmem>>, vector<1x16xf32>,
        %get3A_417 = vector.shape_cast %get3A_416 : vector<1x16xf32> to vector<16xf32>
        %mul3A_418 = arith.constant 11.3137083 : f32
        %mul3A_419 = vector.broadcast %mul3A_418 : f32 to vector<16xf32>
        %mul3A_420 = arith.mulf %get3A_417, %mul3A_419 : vector<16xf32>
        %swap3A_421 = arith.index_cast %scan3A_330 : i32 to index
        %swap3A_422 = arith.constant 112 : index
        %swap3A_423 = tpu.vector_load %arg11[%swap3A_421, %swap3A_422] {strides = array<i32>} : memref<128x128xf32, #tpu.memory_space<vmem>>, vector<1x16xf32>,
        %swap3A_424 = vector.shape_cast %swap3A_423 : vector<1x16xf32> to vector<16xf32>
        %swap3A_425 = vector.shape_cast %mul3A_420 : vector<16xf32> to vector<1x16xf32>
        tpu.vector_store %arg11[%swap3A_421, %swap3A_422], %swap3A_425 {strides = array<i32>} : memref<128x128xf32, #tpu.memory_space<vmem>>, vector<1x16xf32>,
        %scan3A_426 = arith.constant 0 : i32
        scf.yield %scan3A_426 : i32
      }
      %scan3A_313 = arith.constant 128 : i32
      %add3A_314 = arith.constant 3 : i32
      %add3A_315 = arith.addi %add3A_296, %add3A_314 : i32
      %mul3A_316 = arith.constant 128 : i32
      %mul3A_317 = arith.muli %add3A_315, %mul3A_316 : i32
      %dma_start3A_318 = tpu.memref_slice %arg5[%mul3A_317] : memref<6400xi32, #tpu.memory_space<vmem>> -> memref<128xi32, #tpu.memory_space<vmem>>
      %dma_start3A_319 = arith.constant 0 : i32
      %dma_start3A_320 = arith.constant 0 : i32
      %dma_start3A_321 = tpu.memref_slice %arg3[%dma_start3A_319, %dma_start3A_320] : memref<100000x128xf32, #tpu.memory_space<hbm>> -> memref<100000x128xf32, #tpu.memory_space<hbm>>
      tpu.enqueue_indirect_dma source(%dma_start3A_321 : memref<100000x128xf32, #tpu.memory_space<hbm>>) target(%arg8 : memref<128x128xf32, #tpu.memory_space<vmem>>) offsets(%dma_start3A_318 : memref<128xi32, #tpu.memory_space<vmem>>) semaphore(%arg14 : memref<!tpu.dma_semaphore, #tpu.memory_space<semaphore_mem>>)
      %mul3A_322 = arith.constant 128 : i32
      %mul3A_323 = arith.muli %add3A_296, %mul3A_322 : i32
      %add3A_324 = arith.addi %mul3A_2, %mul3A_323 : i32
      %dma_start3A_325 = arith.constant 0 : i32
      %dma_start3A_326 = tpu.memref_slice %arg4[%add3A_324, %dma_start3A_325] : memref<204800x128xf32, #tpu.memory_space<hbm>> -> memref<128x128xf32, #tpu.memory_space<hbm>>
      %dma_start3A_327 = arith.constant 0 : i32
      %dma_start3A_328 = tpu.memref_slice %arg4[%add3A_324, %dma_start3A_327] : memref<204800x128xf32, #tpu.memory_space<hbm>> -> memref<128x128xf32, #tpu.memory_space<hbm>>
      tpu.enqueue_dma source(%arg11 : memref<128x128xf32, #tpu.memory_space<vmem>>) target(%dma_start3A_328 : memref<128x128xf32, #tpu.memory_space<hbm>>) target_semaphore(%arg17 : memref<!tpu.dma_semaphore, #tpu.memory_space<semaphore_mem>>)
      %scan3A_329 = arith.constant 0 : i32
      scf.yield %scan3A_329 : i32
    }
    %scan3A_90 = arith.constant 14 : i32
    %dma_wait3A_91 = arith.constant 5760 : i32
    %dma_wait3A_92 = tpu.memref_slice %arg5[%dma_wait3A_91] : memref<6400xi32, #tpu.memory_space<vmem>> -> memref<128xi32, #tpu.memory_space<vmem>>
    %dma_wait3A_93 = arith.constant 0 : i32
    %dma_wait3A_94 = arith.constant 0 : i32
    %dma_wait3A_95 = tpu.memref_slice %arg3[%dma_wait3A_93, %dma_wait3A_94] : memref<100000x128xf32, #tpu.memory_space<hbm>> -> memref<100000x128xf32, #tpu.memory_space<hbm>>
    tpu.wait_indirect_dma semaphore(%arg12 : memref<!tpu.dma_semaphore, #tpu.memory_space<semaphore_mem>>) src(%dma_wait3A_95 : memref<100000x128xf32, #tpu.memory_space<hbm>>) dst(%arg6 : memref<128x128xf32, #tpu.memory_space<vmem>>)
    %dma_wait3A_96 = arith.constant 0 : i32
    %dma_wait3A_97 = tpu.memref_slice %arg4[%mul3A_2, %dma_wait3A_96] : memref<204800x128xf32, #tpu.memory_space<hbm>> -> memref<128x128xf32, #tpu.memory_space<hbm>>
    %dma_wait3A_98 = arith.constant 0 : i32
    %dma_wait3A_99 = tpu.memref_slice %arg4[%mul3A_2, %dma_wait3A_98] : memref<204800x128xf32, #tpu.memory_space<hbm>> -> memref<128x128xf32, #tpu.memory_space<hbm>>
    tpu.wait_dma2 semaphore(%arg15 : memref<!tpu.dma_semaphore, #tpu.memory_space<semaphore_mem>>) src(%arg9 : memref<128x128xf32, #tpu.memory_space<vmem>>) dst(%dma_wait3A_99 : memref<128x128xf32, #tpu.memory_space<hbm>>)
    %scan3A_100 = arith.constant 0 : i32
    %scan3A_101 = arith.constant 0 : i32
    %scan3A_102 = arith.constant 128 : i32
    %scan3A_103 = arith.addi %scan3A_101, %scan3A_102 : i32
    %scan3A_104 = arith.constant 1 : i32
    %scan3A_105 = scf.for %scan3A_223 = %scan3A_101 to %scan3A_103 step %scan3A_104 iter_args(%scan3A_224 = %scan3A_100) -> (i32)  : i32 {
      %get3A = arith.index_cast %scan3A_223 : i32 to index
      %get3A_225 = arith.constant 0 : index
      %get3A_226 = tpu.vector_load %arg6[%get3A, %get3A_225] {strides = array<i32>} : memref<128x128xf32, #tpu.memory_space<vmem>>, vector<1x16xf32>,
      %get3A_227 = vector.shape_cast %get3A_226 : vector<1x16xf32> to vector<16xf32>
      %mul3A_228 = arith.constant 11.3137083 : f32
      %mul3A_229 = vector.broadcast %mul3A_228 : f32 to vector<16xf32>
      %mul3A_230 = arith.mulf %get3A_227, %mul3A_229 : vector<16xf32>
      %swap3A = arith.index_cast %scan3A_223 : i32 to index
      %swap3A_231 = arith.constant 0 : index
      %swap3A_232 = tpu.vector_load %arg9[%swap3A, %swap3A_231] {strides = array<i32>} : memref<128x128xf32, #tpu.memory_space<vmem>>, vector<1x16xf32>,
      %swap3A_233 = vector.shape_cast %swap3A_232 : vector<1x16xf32> to vector<16xf32>
      %swap3A_234 = vector.shape_cast %mul3A_230 : vector<16xf32> to vector<1x16xf32>
      tpu.vector_store %arg9[%swap3A, %swap3A_231], %swap3A_234 {strides = array<i32>} : memref<128x128xf32, #tpu.memory_space<vmem>>, vector<1x16xf32>,
      %get3A_235 = arith.index_cast %scan3A_223 : i32 to index
      %get3A_236 = arith.constant 16 : index
      %get3A_237 = tpu.vector_load %arg6[%get3A_235, %get3A_236] {strides = array<i32>} : memref<128x128xf32, #tpu.memory_space<vmem>>, vector<1x16xf32>,
      %get3A_238 = vector.shape_cast %get3A_237 : vector<1x16xf32> to vector<16xf32>
      %mul3A_239 = arith.constant 11.3137083 : f32
      %mul3A_240 = vector.broadcast %mul3A_239 : f32 to vector<16xf32>
      %mul3A_241 = arith.mulf %get3A_238, %mul3A_240 : vector<16xf32>
      %swap3A_242 = arith.index_cast %scan3A_223 : i32 to index
      %swap3A_243 = arith.constant 16 : index
      %swap3A_244 = tpu.vector_load %arg9[%swap3A_242, %swap3A_243] {strides = array<i32>} : memref<128x128xf32, #tpu.memory_space<vmem>>, vector<1x16xf32>,
      %swap3A_245 = vector.shape_cast %swap3A_244 : vector<1x16xf32> to vector<16xf32>
      %swap3A_246 = vector.shape_cast %mul3A_241 : vector<16xf32> to vector<1x16xf32>
      tpu.vector_store %arg9[%swap3A_242, %swap3A_243], %swap3A_246 {strides = array<i32>} : memref<128x128xf32, #tpu.memory_space<vmem>>, vector<1x16xf32>,
      %get3A_247 = arith.index_cast %scan3A_223 : i32 to index
      %get3A_248 = arith.constant 32 : index
      %get3A_249 = tpu.vector_load %arg6[%get3A_247, %get3A_248] {strides = array<i32>} : memref<128x128xf32, #tpu.memory_space<vmem>>, vector<1x16xf32>,
      %get3A_250 = vector.shape_cast %get3A_249 : vector<1x16xf32> to vector<16xf32>
      %mul3A_251 = arith.constant 11.3137083 : f32
      %mul3A_252 = vector.broadcast %mul3A_251 : f32 to vector<16xf32>
      %mul3A_253 = arith.mulf %get3A_250, %mul3A_252 : vector<16xf32>
      %swap3A_254 = arith.index_cast %scan3A_223 : i32 to index
      %swap3A_255 = arith.constant 32 : index
      %swap3A_256 = tpu.vector_load %arg9[%swap3A_254, %swap3A_255] {strides = array<i32>} : memref<128x128xf32, #tpu.memory_space<vmem>>, vector<1x16xf32>,
      %swap3A_257 = vector.shape_cast %swap3A_256 : vector<1x16xf32> to vector<16xf32>
      %swap3A_258 = vector.shape_cast %mul3A_253 : vector<16xf32> to vector<1x16xf32>
      tpu.vector_store %arg9[%swap3A_254, %swap3A_255], %swap3A_258 {strides = array<i32>} : memref<128x128xf32, #tpu.memory_space<vmem>>, vector<1x16xf32>,
      %get3A_259 = arith.index_cast %scan3A_223 : i32 to index
      %get3A_260 = arith.constant 48 : index
      %get3A_261 = tpu.vector_load %arg6[%get3A_259, %get3A_260] {strides = array<i32>} : memref<128x128xf32, #tpu.memory_space<vmem>>, vector<1x16xf32>,
      %get3A_262 = vector.shape_cast %get3A_261 : vector<1x16xf32> to vector<16xf32>
      %mul3A_263 = arith.constant 11.3137083 : f32
      %mul3A_264 = vector.broadcast %mul3A_263 : f32 to vector<16xf32>
      %mul3A_265 = arith.mulf %get3A_262, %mul3A_264 : vector<16xf32>
      %swap3A_266 = arith.index_cast %scan3A_223 : i32 to index
      %swap3A_267 = arith.constant 48 : index
      %swap3A_268 = tpu.vector_load %arg9[%swap3A_266, %swap3A_267] {strides = array<i32>} : memref<128x128xf32, #tpu.memory_space<vmem>>, vector<1x16xf32>,
      %swap3A_269 = vector.shape_cast %swap3A_268 : vector<1x16xf32> to vector<16xf32>
      %swap3A_270 = vector.shape_cast %mul3A_265 : vector<16xf32> to vector<1x16xf32>
      tpu.vector_store %arg9[%swap3A_266, %swap3A_267], %swap3A_270 {strides = array<i32>} : memref<128x128xf32, #tpu.memory_space<vmem>>, vector<1x16xf32>,
      %get3A_271 = arith.index_cast %scan3A_223 : i32 to index
      %get3A_272 = arith.constant 64 : index
      %get3A_273 = tpu.vector_load %arg6[%get3A_271, %get3A_272] {strides = array<i32>} : memref<128x128xf32, #tpu.memory_space<vmem>>, vector<1x16xf32>,
      %get3A_274 = vector.shape_cast %get3A_273 : vector<1x16xf32> to vector<16xf32>
      %mul3A_275 = arith.constant 11.3137083 : f32
      %mul3A_276 = vector.broadcast %mul3A_275 : f32 to vector<16xf32>
      %mul3A_277 = arith.mulf %get3A_274, %mul3A_276 : vector<16xf32>
      %swap3A_278 = arith.index_cast %scan3A_223 : i32 to index
      %swap3A_279 = arith.constant 64 : index
      %swap3A_280 = tpu.vector_load %arg9[%swap3A_278, %swap3A_279] {strides = array<i32>} : memref<128x128xf32, #tpu.memory_space<vmem>>, vector<1x16xf32>,
      %swap3A_281 = vector.shape_cast %swap3A_280 : vector<1x16xf32> to vector<16xf32>
      %swap3A_282 = vector.shape_cast %mul3A_277 : vector<16xf32> to vector<1x16xf32>
      tpu.vector_store %arg9[%swap3A_278, %swap3A_279], %swap3A_282 {strides = array<i32>} : memref<128x128xf32, #tpu.memory_space<vmem>>, vector<1x16xf32>,
      %get3A_283 = arith.index_cast %scan3A_223 : i32 to index
      %get3A_284 = arith.constant 80 : index
      %get3A_285 = tpu.vector_load %arg6[%get3A_283, %get3A_284] {strides = array<i32>} : memref<128x128xf32, #tpu.memory_space<vmem>>, vector<1x16xf32>,
      %get3A_286 = vector.shape_cast %get3A_285 : vector<1x16xf32> to vector<16xf32>
      %mul3A_287 = arith.constant 11.3137083 : f32
      %mul3A_288 = vector.broadcast %mul3A_287 : f32 to vector<16xf32>
      %mul3A_289 = arith.mulf %get3A_286, %mul3A_288 : vector<16xf32>
      %swap3A_290 = arith.index_cast %scan3A_223 : i32 to index
      %swap3A_291 = arith.constant 80 : index
      %swap3A_292 = tpu.vector_load %arg9[%swap3A_290, %swap3A_291] {strides = array<i32>} : memref<128x128xf32, #tpu.memory_space<vmem>>, vector<1x16xf32>,
      %swap3A_293 = vector.shape_cast %swap3A_292 : vector<1x16xf32> to vector<16xf32>
      %swap3A_294 = vector.shape_cast %mul3A_289 : vector<16xf32> to vector<1x16xf32>
      tpu.vector_store %arg9[%swap3A_290, %swap3A_291], %swap3A_294 {strides = array<i32>} : memref<128x128xf32, #tpu.memory_space<vmem>>, vector<1x16xf32>,
      %get3A_295 = arith.index_cast %scan3A_223 : i32 to index
      %get3A_296 = arith.constant 96 : index
      %get3A_297 = tpu.vector_load %arg6[%get3A_295, %get3A_296] {strides = array<i32>} : memref<128x128xf32, #tpu.memory_space<vmem>>, vector<1x16xf32>,
      %get3A_298 = vector.shape_cast %get3A_297 : vector<1x16xf32> to vector<16xf32>
      %mul3A_299 = arith.constant 11.3137083 : f32
      %mul3A_300 = vector.broadcast %mul3A_299 : f32 to vector<16xf32>
      %mul3A_301 = arith.mulf %get3A_298, %mul3A_300 : vector<16xf32>
      %swap3A_302 = arith.index_cast %scan3A_223 : i32 to index
      %swap3A_303 = arith.constant 96 : index
      %swap3A_304 = tpu.vector_load %arg9[%swap3A_302, %swap3A_303] {strides = array<i32>} : memref<128x128xf32, #tpu.memory_space<vmem>>, vector<1x16xf32>,
      %swap3A_305 = vector.shape_cast %swap3A_304 : vector<1x16xf32> to vector<16xf32>
      %swap3A_306 = vector.shape_cast %mul3A_301 : vector<16xf32> to vector<1x16xf32>
      tpu.vector_store %arg9[%swap3A_302, %swap3A_303], %swap3A_306 {strides = array<i32>} : memref<128x128xf32, #tpu.memory_space<vmem>>, vector<1x16xf32>,
      %get3A_307 = arith.index_cast %scan3A_223 : i32 to index
      %get3A_308 = arith.constant 112 : index
      %get3A_309 = tpu.vector_load %arg6[%get3A_307, %get3A_308] {strides = array<i32>} : memref<128x128xf32, #tpu.memory_space<vmem>>, vector<1x16xf32>,
      %get3A_310 = vector.shape_cast %get3A_309 : vector<1x16xf32> to vector<16xf32>
      %mul3A_311 = arith.constant 11.3137083 : f32
      %mul3A_312 = vector.broadcast %mul3A_311 : f32 to vector<16xf32>
      %mul3A_313 = arith.mulf %get3A_310, %mul3A_312 : vector<16xf32>
      %swap3A_314 = arith.index_cast %scan3A_223 : i32 to index
      %swap3A_315 = arith.constant 112 : index
      %swap3A_316 = tpu.vector_load %arg9[%swap3A_314, %swap3A_315] {strides = array<i32>} : memref<128x128xf32, #tpu.memory_space<vmem>>, vector<1x16xf32>,
      %swap3A_317 = vector.shape_cast %swap3A_316 : vector<1x16xf32> to vector<16xf32>
      %swap3A_318 = vector.shape_cast %mul3A_313 : vector<16xf32> to vector<1x16xf32>
      tpu.vector_store %arg9[%swap3A_314, %swap3A_315], %swap3A_318 {strides = array<i32>} : memref<128x128xf32, #tpu.memory_space<vmem>>, vector<1x16xf32>,
      %scan3A_319 = arith.constant 0 : i32
      scf.yield %scan3A_319 : i32
    }
    %scan3A_106 = arith.constant 128 : i32
    %dma_start3A_107 = arith.constant 6144 : i32
    %dma_start3A_108 = tpu.memref_slice %arg5[%dma_start3A_107] : memref<6400xi32, #tpu.memory_space<vmem>> -> memref<128xi32, #tpu.memory_space<vmem>>
    %dma_start3A_109 = arith.constant 0 : i32
    %dma_start3A_110 = arith.constant 0 : i32
    %dma_start3A_111 = tpu.memref_slice %arg3[%dma_start3A_109, %dma_start3A_110] : memref<100000x128xf32, #tpu.memory_space<hbm>> -> memref<100000x128xf32, #tpu.memory_space<hbm>>
    tpu.enqueue_indirect_dma source(%dma_start3A_111 : memref<100000x128xf32, #tpu.memory_space<hbm>>) target(%arg6 : memref<128x128xf32, #tpu.memory_space<vmem>>) offsets(%dma_start3A_108 : memref<128xi32, #tpu.memory_space<vmem>>) semaphore(%arg12 : memref<!tpu.dma_semaphore, #tpu.memory_space<semaphore_mem>>)
    %add3A_112 = arith.constant 5760 : i32
    %add3A_113 = arith.addi %mul3A_2, %add3A_112 : i32
    %dma_start3A_114 = arith.constant 0 : i32
    %dma_start3A_115 = tpu.memref_slice %arg4[%add3A_113, %dma_start3A_114] : memref<204800x128xf32, #tpu.memory_space<hbm>> -> memref<128x128xf32, #tpu.memory_space<hbm>>
    %dma_start3A_116 = arith.constant 0 : i32
    %dma_start3A_117 = tpu.memref_slice %arg4[%add3A_113, %dma_start3A_116] : memref<204800x128xf32, #tpu.memory_space<hbm>> -> memref<128x128xf32, #tpu.memory_space<hbm>>
    tpu.enqueue_dma source(%arg9 : memref<128x128xf32, #tpu.memory_space<vmem>>) target(%dma_start3A_117 : memref<128x128xf32, #tpu.memory_space<hbm>>) target_semaphore(%arg15 : memref<!tpu.dma_semaphore, #tpu.memory_space<semaphore_mem>>)
    %dma_wait3A_118 = arith.constant 5888 : i32
    %dma_wait3A_119 = tpu.memref_slice %arg5[%dma_wait3A_118] : memref<6400xi32, #tpu.memory_space<vmem>> -> memref<128xi32, #tpu.memory_space<vmem>>
    %dma_wait3A_120 = arith.constant 0 : i32
    %dma_wait3A_121 = arith.constant 0 : i32
    %dma_wait3A_122 = tpu.memref_slice %arg3[%dma_wait3A_120, %dma_wait3A_121] : memref<100000x128xf32, #tpu.memory_space<hbm>> -> memref<100000x128xf32, #tpu.memory_space<hbm>>
    tpu.wait_indirect_dma semaphore(%arg13 : memref<!tpu.dma_semaphore, #tpu.memory_space<semaphore_mem>>) src(%dma_wait3A_122 : memref<100000x128xf32, #tpu.memory_space<hbm>>) dst(%arg7 : memref<128x128xf32, #tpu.memory_space<vmem>>)
    %dma_wait3A_123 = arith.constant 0 : i32
    %dma_wait3A_124 = tpu.memref_slice %arg4[%mul3A_2, %dma_wait3A_123] : memref<204800x128xf32, #tpu.memory_space<hbm>> -> memref<128x128xf32, #tpu.memory_space<hbm>>
    %dma_wait3A_125 = arith.constant 0 : i32
    %dma_wait3A_126 = tpu.memref_slice %arg4[%mul3A_2, %dma_wait3A_125] : memref<204800x128xf32, #tpu.memory_space<hbm>> -> memref<128x128xf32, #tpu.memory_space<hbm>>
    tpu.wait_dma2 semaphore(%arg16 : memref<!tpu.dma_semaphore, #tpu.memory_space<semaphore_mem>>) src(%arg10 : memref<128x128xf32, #tpu.memory_space<vmem>>) dst(%dma_wait3A_126 : memref<128x128xf32, #tpu.memory_space<hbm>>)
    %scan3A_127 = arith.constant 0 : i32
    %scan3A_128 = arith.constant 0 : i32
    %scan3A_129 = arith.constant 128 : i32
    %scan3A_130 = arith.addi %scan3A_128, %scan3A_129 : i32
    %scan3A_131 = arith.constant 1 : i32
    %scan3A_132 = scf.for %scan3A_223 = %scan3A_128 to %scan3A_130 step %scan3A_131 iter_args(%scan3A_224 = %scan3A_127) -> (i32)  : i32 {
      %get3A = arith.index_cast %scan3A_223 : i32 to index
      %get3A_225 = arith.constant 0 : index
      %get3A_226 = tpu.vector_load %arg7[%get3A, %get3A_225] {strides = array<i32>} : memref<128x128xf32, #tpu.memory_space<vmem>>, vector<1x16xf32>,
      %get3A_227 = vector.shape_cast %get3A_226 : vector<1x16xf32> to vector<16xf32>
      %mul3A_228 = arith.constant 11.3137083 : f32
      %mul3A_229 = vector.broadcast %mul3A_228 : f32 to vector<16xf32>
      %mul3A_230 = arith.mulf %get3A_227, %mul3A_229 : vector<16xf32>
      %swap3A = arith.index_cast %scan3A_223 : i32 to index
      %swap3A_231 = arith.constant 0 : index
      %swap3A_232 = tpu.vector_load %arg10[%swap3A, %swap3A_231] {strides = array<i32>} : memref<128x128xf32, #tpu.memory_space<vmem>>, vector<1x16xf32>,
      %swap3A_233 = vector.shape_cast %swap3A_232 : vector<1x16xf32> to vector<16xf32>
      %swap3A_234 = vector.shape_cast %mul3A_230 : vector<16xf32> to vector<1x16xf32>
      tpu.vector_store %arg10[%swap3A, %swap3A_231], %swap3A_234 {strides = array<i32>} : memref<128x128xf32, #tpu.memory_space<vmem>>, vector<1x16xf32>,
      %get3A_235 = arith.index_cast %scan3A_223 : i32 to index
      %get3A_236 = arith.constant 16 : index
      %get3A_237 = tpu.vector_load %arg7[%get3A_235, %get3A_236] {strides = array<i32>} : memref<128x128xf32, #tpu.memory_space<vmem>>, vector<1x16xf32>,
      %get3A_238 = vector.shape_cast %get3A_237 : vector<1x16xf32> to vector<16xf32>
      %mul3A_239 = arith.constant 11.3137083 : f32
      %mul3A_240 = vector.broadcast %mul3A_239 : f32 to vector<16xf32>
      %mul3A_241 = arith.mulf %get3A_238, %mul3A_240 : vector<16xf32>
      %swap3A_242 = arith.index_cast %scan3A_223 : i32 to index
      %swap3A_243 = arith.constant 16 : index
      %swap3A_244 = tpu.vector_load %arg10[%swap3A_242, %swap3A_243] {strides = array<i32>} : memref<128x128xf32, #tpu.memory_space<vmem>>, vector<1x16xf32>,
      %swap3A_245 = vector.shape_cast %swap3A_244 : vector<1x16xf32> to vector<16xf32>
      %swap3A_246 = vector.shape_cast %mul3A_241 : vector<16xf32> to vector<1x16xf32>
      tpu.vector_store %arg10[%swap3A_242, %swap3A_243], %swap3A_246 {strides = array<i32>} : memref<128x128xf32, #tpu.memory_space<vmem>>, vector<1x16xf32>,
      %get3A_247 = arith.index_cast %scan3A_223 : i32 to index
      %get3A_248 = arith.constant 32 : index
      %get3A_249 = tpu.vector_load %arg7[%get3A_247, %get3A_248] {strides = array<i32>} : memref<128x128xf32, #tpu.memory_space<vmem>>, vector<1x16xf32>,
      %get3A_250 = vector.shape_cast %get3A_249 : vector<1x16xf32> to vector<16xf32>
      %mul3A_251 = arith.constant 11.3137083 : f32
      %mul3A_252 = vector.broadcast %mul3A_251 : f32 to vector<16xf32>
      %mul3A_253 = arith.mulf %get3A_250, %mul3A_252 : vector<16xf32>
      %swap3A_254 = arith.index_cast %scan3A_223 : i32 to index
      %swap3A_255 = arith.constant 32 : index
      %swap3A_256 = tpu.vector_load %arg10[%swap3A_254, %swap3A_255] {strides = array<i32>} : memref<128x128xf32, #tpu.memory_space<vmem>>, vector<1x16xf32>,
      %swap3A_257 = vector.shape_cast %swap3A_256 : vector<1x16xf32> to vector<16xf32>
      %swap3A_258 = vector.shape_cast %mul3A_253 : vector<16xf32> to vector<1x16xf32>
      tpu.vector_store %arg10[%swap3A_254, %swap3A_255], %swap3A_258 {strides = array<i32>} : memref<128x128xf32, #tpu.memory_space<vmem>>, vector<1x16xf32>,
      %get3A_259 = arith.index_cast %scan3A_223 : i32 to index
      %get3A_260 = arith.constant 48 : index
      %get3A_261 = tpu.vector_load %arg7[%get3A_259, %get3A_260] {strides = array<i32>} : memref<128x128xf32, #tpu.memory_space<vmem>>, vector<1x16xf32>,
      %get3A_262 = vector.shape_cast %get3A_261 : vector<1x16xf32> to vector<16xf32>
      %mul3A_263 = arith.constant 11.3137083 : f32
      %mul3A_264 = vector.broadcast %mul3A_263 : f32 to vector<16xf32>
      %mul3A_265 = arith.mulf %get3A_262, %mul3A_264 : vector<16xf32>
      %swap3A_266 = arith.index_cast %scan3A_223 : i32 to index
      %swap3A_267 = arith.constant 48 : index
      %swap3A_268 = tpu.vector_load %arg10[%swap3A_266, %swap3A_267] {strides = array<i32>} : memref<128x128xf32, #tpu.memory_space<vmem>>, vector<1x16xf32>,
      %swap3A_269 = vector.shape_cast %swap3A_268 : vector<1x16xf32> to vector<16xf32>
      %swap3A_270 = vector.shape_cast %mul3A_265 : vector<16xf32> to vector<1x16xf32>
      tpu.vector_store %arg10[%swap3A_266, %swap3A_267], %swap3A_270 {strides = array<i32>} : memref<128x128xf32, #tpu.memory_space<vmem>>, vector<1x16xf32>,
      %get3A_271 = arith.index_cast %scan3A_223 : i32 to index
      %get3A_272 = arith.constant 64 : index
      %get3A_273 = tpu.vector_load %arg7[%get3A_271, %get3A_272] {strides = array<i32>} : memref<128x128xf32, #tpu.memory_space<vmem>>, vector<1x16xf32>,
      %get3A_274 = vector.shape_cast %get3A_273 : vector<1x16xf32> to vector<16xf32>
      %mul3A_275 = arith.constant 11.3137083 : f32
      %mul3A_276 = vector.broadcast %mul3A_275 : f32 to vector<16xf32>
      %mul3A_277 = arith.mulf %get3A_274, %mul3A_276 : vector<16xf32>
      %swap3A_278 = arith.index_cast %scan3A_223 : i32 to index
      %swap3A_279 = arith.constant 64 : index
      %swap3A_280 = tpu.vector_load %arg10[%swap3A_278, %swap3A_279] {strides = array<i32>} : memref<128x128xf32, #tpu.memory_space<vmem>>, vector<1x16xf32>,
      %swap3A_281 = vector.shape_cast %swap3A_280 : vector<1x16xf32> to vector<16xf32>
      %swap3A_282 = vector.shape_cast %mul3A_277 : vector<16xf32> to vector<1x16xf32>
      tpu.vector_store %arg10[%swap3A_278, %swap3A_279], %swap3A_282 {strides = array<i32>} : memref<128x128xf32, #tpu.memory_space<vmem>>, vector<1x16xf32>,
      %get3A_283 = arith.index_cast %scan3A_223 : i32 to index
      %get3A_284 = arith.constant 80 : index
      %get3A_285 = tpu.vector_load %arg7[%get3A_283, %get3A_284] {strides = array<i32>} : memref<128x128xf32, #tpu.memory_space<vmem>>, vector<1x16xf32>,
      %get3A_286 = vector.shape_cast %get3A_285 : vector<1x16xf32> to vector<16xf32>
      %mul3A_287 = arith.constant 11.3137083 : f32
      %mul3A_288 = vector.broadcast %mul3A_287 : f32 to vector<16xf32>
      %mul3A_289 = arith.mulf %get3A_286, %mul3A_288 : vector<16xf32>
      %swap3A_290 = arith.index_cast %scan3A_223 : i32 to index
      %swap3A_291 = arith.constant 80 : index
      %swap3A_292 = tpu.vector_load %arg10[%swap3A_290, %swap3A_291] {strides = array<i32>} : memref<128x128xf32, #tpu.memory_space<vmem>>, vector<1x16xf32>,
      %swap3A_293 = vector.shape_cast %swap3A_292 : vector<1x16xf32> to vector<16xf32>
      %swap3A_294 = vector.shape_cast %mul3A_289 : vector<16xf32> to vector<1x16xf32>
      tpu.vector_store %arg10[%swap3A_290, %swap3A_291], %swap3A_294 {strides = array<i32>} : memref<128x128xf32, #tpu.memory_space<vmem>>, vector<1x16xf32>,
      %get3A_295 = arith.index_cast %scan3A_223 : i32 to index
      %get3A_296 = arith.constant 96 : index
      %get3A_297 = tpu.vector_load %arg7[%get3A_295, %get3A_296] {strides = array<i32>} : memref<128x128xf32, #tpu.memory_space<vmem>>, vector<1x16xf32>,
      %get3A_298 = vector.shape_cast %get3A_297 : vector<1x16xf32> to vector<16xf32>
      %mul3A_299 = arith.constant 11.3137083 : f32
      %mul3A_300 = vector.broadcast %mul3A_299 : f32 to vector<16xf32>
      %mul3A_301 = arith.mulf %get3A_298, %mul3A_300 : vector<16xf32>
      %swap3A_302 = arith.index_cast %scan3A_223 : i32 to index
      %swap3A_303 = arith.constant 96 : index
      %swap3A_304 = tpu.vector_load %arg10[%swap3A_302, %swap3A_303] {strides = array<i32>} : memref<128x128xf32, #tpu.memory_space<vmem>>, vector<1x16xf32>,
      %swap3A_305 = vector.shape_cast %swap3A_304 : vector<1x16xf32> to vector<16xf32>
      %swap3A_306 = vector.shape_cast %mul3A_301 : vector<16xf32> to vector<1x16xf32>
      tpu.vector_store %arg10[%swap3A_302, %swap3A_303], %swap3A_306 {strides = array<i32>} : memref<128x128xf32, #tpu.memory_space<vmem>>, vector<1x16xf32>,
      %get3A_307 = arith.index_cast %scan3A_223 : i32 to index
      %get3A_308 = arith.constant 112 : index
      %get3A_309 = tpu.vector_load %arg7[%get3A_307, %get3A_308] {strides = array<i32>} : memref<128x128xf32, #tpu.memory_space<vmem>>, vector<1x16xf32>,
      %get3A_310 = vector.shape_cast %get3A_309 : vector<1x16xf32> to vector<16xf32>
      %mul3A_311 = arith.constant 11.3137083 : f32
      %mul3A_312 = vector.broadcast %mul3A_311 : f32 to vector<16xf32>
      %mul3A_313 = arith.mulf %get3A_310, %mul3A_312 : vector<16xf32>
      %swap3A_314 = arith.index_cast %scan3A_223 : i32 to index
      %swap3A_315 = arith.constant 112 : index
      %swap3A_316 = tpu.vector_load %arg10[%swap3A_314, %swap3A_315] {strides = array<i32>} : memref<128x128xf32, #tpu.memory_space<vmem>>, vector<1x16xf32>,
      %swap3A_317 = vector.shape_cast %swap3A_316 : vector<1x16xf32> to vector<16xf32>
      %swap3A_318 = vector.shape_cast %mul3A_313 : vector<16xf32> to vector<1x16xf32>
      tpu.vector_store %arg10[%swap3A_314, %swap3A_315], %swap3A_318 {strides = array<i32>} : memref<128x128xf32, #tpu.memory_space<vmem>>, vector<1x16xf32>,
      %scan3A_319 = arith.constant 0 : i32
      scf.yield %scan3A_319 : i32
    }
    %scan3A_133 = arith.constant 128 : i32
    %dma_start3A_134 = arith.constant 6272 : i32
    %dma_start3A_135 = tpu.memref_slice %arg5[%dma_start3A_134] : memref<6400xi32, #tpu.memory_space<vmem>> -> memref<128xi32, #tpu.memory_space<vmem>>
    %dma_start3A_136 = arith.constant 0 : i32
    %dma_start3A_137 = arith.constant 0 : i32
    %dma_start3A_138 = tpu.memref_slice %arg3[%dma_start3A_136, %dma_start3A_137] : memref<100000x128xf32, #tpu.memory_space<hbm>> -> memref<100000x128xf32, #tpu.memory_space<hbm>>
    tpu.enqueue_indirect_dma source(%dma_start3A_138 : memref<100000x128xf32, #tpu.memory_space<hbm>>) target(%arg7 : memref<128x128xf32, #tpu.memory_space<vmem>>) offsets(%dma_start3A_135 : memref<128xi32, #tpu.memory_space<vmem>>) semaphore(%arg13 : memref<!tpu.dma_semaphore, #tpu.memory_space<semaphore_mem>>)
    %add3A_139 = arith.constant 5888 : i32
    %add3A_140 = arith.addi %mul3A_2, %add3A_139 : i32
    %dma_start3A_141 = arith.constant 0 : i32
    %dma_start3A_142 = tpu.memref_slice %arg4[%add3A_140, %dma_start3A_141] : memref<204800x128xf32, #tpu.memory_space<hbm>> -> memref<128x128xf32, #tpu.memory_space<hbm>>
    %dma_start3A_143 = arith.constant 0 : i32
    %dma_start3A_144 = tpu.memref_slice %arg4[%add3A_140, %dma_start3A_143] : memref<204800x128xf32, #tpu.memory_space<hbm>> -> memref<128x128xf32, #tpu.memory_space<hbm>>
    tpu.enqueue_dma source(%arg10 : memref<128x128xf32, #tpu.memory_space<vmem>>) target(%dma_start3A_144 : memref<128x128xf32, #tpu.memory_space<hbm>>) target_semaphore(%arg16 : memref<!tpu.dma_semaphore, #tpu.memory_space<semaphore_mem>>)
    %dma_wait3A_145 = arith.constant 6016 : i32
    %dma_wait3A_146 = tpu.memref_slice %arg5[%dma_wait3A_145] : memref<6400xi32, #tpu.memory_space<vmem>> -> memref<128xi32, #tpu.memory_space<vmem>>
    %dma_wait3A_147 = arith.constant 0 : i32
    %dma_wait3A_148 = arith.constant 0 : i32
    %dma_wait3A_149 = tpu.memref_slice %arg3[%dma_wait3A_147, %dma_wait3A_148] : memref<100000x128xf32, #tpu.memory_space<hbm>> -> memref<100000x128xf32, #tpu.memory_space<hbm>>
    tpu.wait_indirect_dma semaphore(%arg14 : memref<!tpu.dma_semaphore, #tpu.memory_space<semaphore_mem>>) src(%dma_wait3A_149 : memref<100000x128xf32, #tpu.memory_space<hbm>>) dst(%arg8 : memref<128x128xf32, #tpu.memory_space<vmem>>)
    %dma_wait3A_150 = arith.constant 0 : i32
    %dma_wait3A_151 = tpu.memref_slice %arg4[%mul3A_2, %dma_wait3A_150] : memref<204800x128xf32, #tpu.memory_space<hbm>> -> memref<128x128xf32, #tpu.memory_space<hbm>>
    %dma_wait3A_152 = arith.constant 0 : i32
    %dma_wait3A_153 = tpu.memref_slice %arg4[%mul3A_2, %dma_wait3A_152] : memref<204800x128xf32, #tpu.memory_space<hbm>> -> memref<128x128xf32, #tpu.memory_space<hbm>>
    tpu.wait_dma2 semaphore(%arg17 : memref<!tpu.dma_semaphore, #tpu.memory_space<semaphore_mem>>) src(%arg11 : memref<128x128xf32, #tpu.memory_space<vmem>>) dst(%dma_wait3A_153 : memref<128x128xf32, #tpu.memory_space<hbm>>)
    %scan3A_154 = arith.constant 0 : i32
    %scan3A_155 = arith.constant 0 : i32
    %scan3A_156 = arith.constant 128 : i32
    %scan3A_157 = arith.addi %scan3A_155, %scan3A_156 : i32
    %scan3A_158 = arith.constant 1 : i32
    %scan3A_159 = scf.for %scan3A_223 = %scan3A_155 to %scan3A_157 step %scan3A_158 iter_args(%scan3A_224 = %scan3A_154) -> (i32)  : i32 {
      %get3A = arith.index_cast %scan3A_223 : i32 to index
      %get3A_225 = arith.constant 0 : index
      %get3A_226 = tpu.vector_load %arg8[%get3A, %get3A_225] {strides = array<i32>} : memref<128x128xf32, #tpu.memory_space<vmem>>, vector<1x16xf32>,
      %get3A_227 = vector.shape_cast %get3A_226 : vector<1x16xf32> to vector<16xf32>
      %mul3A_228 = arith.constant 11.3137083 : f32
      %mul3A_229 = vector.broadcast %mul3A_228 : f32 to vector<16xf32>
      %mul3A_230 = arith.mulf %get3A_227, %mul3A_229 : vector<16xf32>
      %swap3A = arith.index_cast %scan3A_223 : i32 to index
      %swap3A_231 = arith.constant 0 : index
      %swap3A_232 = tpu.vector_load %arg11[%swap3A, %swap3A_231] {strides = array<i32>} : memref<128x128xf32, #tpu.memory_space<vmem>>, vector<1x16xf32>,
      %swap3A_233 = vector.shape_cast %swap3A_232 : vector<1x16xf32> to vector<16xf32>
      %swap3A_234 = vector.shape_cast %mul3A_230 : vector<16xf32> to vector<1x16xf32>
      tpu.vector_store %arg11[%swap3A, %swap3A_231], %swap3A_234 {strides = array<i32>} : memref<128x128xf32, #tpu.memory_space<vmem>>, vector<1x16xf32>,
      %get3A_235 = arith.index_cast %scan3A_223 : i32 to index
      %get3A_236 = arith.constant 16 : index
      %get3A_237 = tpu.vector_load %arg8[%get3A_235, %get3A_236] {strides = array<i32>} : memref<128x128xf32, #tpu.memory_space<vmem>>, vector<1x16xf32>,
      %get3A_238 = vector.shape_cast %get3A_237 : vector<1x16xf32> to vector<16xf32>
      %mul3A_239 = arith.constant 11.3137083 : f32
      %mul3A_240 = vector.broadcast %mul3A_239 : f32 to vector<16xf32>
      %mul3A_241 = arith.mulf %get3A_238, %mul3A_240 : vector<16xf32>
      %swap3A_242 = arith.index_cast %scan3A_223 : i32 to index
      %swap3A_243 = arith.constant 16 : index
      %swap3A_244 = tpu.vector_load %arg11[%swap3A_242, %swap3A_243] {strides = array<i32>} : memref<128x128xf32, #tpu.memory_space<vmem>>, vector<1x16xf32>,
      %swap3A_245 = vector.shape_cast %swap3A_244 : vector<1x16xf32> to vector<16xf32>
      %swap3A_246 = vector.shape_cast %mul3A_241 : vector<16xf32> to vector<1x16xf32>
      tpu.vector_store %arg11[%swap3A_242, %swap3A_243], %swap3A_246 {strides = array<i32>} : memref<128x128xf32, #tpu.memory_space<vmem>>, vector<1x16xf32>,
      %get3A_247 = arith.index_cast %scan3A_223 : i32 to index
      %get3A_248 = arith.constant 32 : index
      %get3A_249 = tpu.vector_load %arg8[%get3A_247, %get3A_248] {strides = array<i32>} : memref<128x128xf32, #tpu.memory_space<vmem>>, vector<1x16xf32>,
      %get3A_250 = vector.shape_cast %get3A_249 : vector<1x16xf32> to vector<16xf32>
      %mul3A_251 = arith.constant 11.3137083 : f32
      %mul3A_252 = vector.broadcast %mul3A_251 : f32 to vector<16xf32>
      %mul3A_253 = arith.mulf %get3A_250, %mul3A_252 : vector<16xf32>
      %swap3A_254 = arith.index_cast %scan3A_223 : i32 to index
      %swap3A_255 = arith.constant 32 : index
      %swap3A_256 = tpu.vector_load %arg11[%swap3A_254, %swap3A_255] {strides = array<i32>} : memref<128x128xf32, #tpu.memory_space<vmem>>, vector<1x16xf32>,
      %swap3A_257 = vector.shape_cast %swap3A_256 : vector<1x16xf32> to vector<16xf32>
      %swap3A_258 = vector.shape_cast %mul3A_253 : vector<16xf32> to vector<1x16xf32>
      tpu.vector_store %arg11[%swap3A_254, %swap3A_255], %swap3A_258 {strides = array<i32>} : memref<128x128xf32, #tpu.memory_space<vmem>>, vector<1x16xf32>,
      %get3A_259 = arith.index_cast %scan3A_223 : i32 to index
      %get3A_260 = arith.constant 48 : index
      %get3A_261 = tpu.vector_load %arg8[%get3A_259, %get3A_260] {strides = array<i32>} : memref<128x128xf32, #tpu.memory_space<vmem>>, vector<1x16xf32>,
      %get3A_262 = vector.shape_cast %get3A_261 : vector<1x16xf32> to vector<16xf32>
      %mul3A_263 = arith.constant 11.3137083 : f32
      %mul3A_264 = vector.broadcast %mul3A_263 : f32 to vector<16xf32>
      %mul3A_265 = arith.mulf %get3A_262, %mul3A_264 : vector<16xf32>
      %swap3A_266 = arith.index_cast %scan3A_223 : i32 to index
      %swap3A_267 = arith.constant 48 : index
      %swap3A_268 = tpu.vector_load %arg11[%swap3A_266, %swap3A_267] {strides = array<i32>} : memref<128x128xf32, #tpu.memory_space<vmem>>, vector<1x16xf32>,
      %swap3A_269 = vector.shape_cast %swap3A_268 : vector<1x16xf32> to vector<16xf32>
      %swap3A_270 = vector.shape_cast %mul3A_265 : vector<16xf32> to vector<1x16xf32>
      tpu.vector_store %arg11[%swap3A_266, %swap3A_267], %swap3A_270 {strides = array<i32>} : memref<128x128xf32, #tpu.memory_space<vmem>>, vector<1x16xf32>,
      %get3A_271 = arith.index_cast %scan3A_223 : i32 to index
      %get3A_272 = arith.constant 64 : index
      %get3A_273 = tpu.vector_load %arg8[%get3A_271, %get3A_272] {strides = array<i32>} : memref<128x128xf32, #tpu.memory_space<vmem>>, vector<1x16xf32>,
      %get3A_274 = vector.shape_cast %get3A_273 : vector<1x16xf32> to vector<16xf32>
      %mul3A_275 = arith.constant 11.3137083 : f32
      %mul3A_276 = vector.broadcast %mul3A_275 : f32 to vector<16xf32>
      %mul3A_277 = arith.mulf %get3A_274, %mul3A_276 : vector<16xf32>
      %swap3A_278 = arith.index_cast %scan3A_223 : i32 to index
      %swap3A_279 = arith.constant 64 : index
      %swap3A_280 = tpu.vector_load %arg11[%swap3A_278, %swap3A_279] {strides = array<i32>} : memref<128x128xf32, #tpu.memory_space<vmem>>, vector<1x16xf32>,
      %swap3A_281 = vector.shape_cast %swap3A_280 : vector<1x16xf32> to vector<16xf32>
      %swap3A_282 = vector.shape_cast %mul3A_277 : vector<16xf32> to vector<1x16xf32>
      tpu.vector_store %arg11[%swap3A_278, %swap3A_279], %swap3A_282 {strides = array<i32>} : memref<128x128xf32, #tpu.memory_space<vmem>>, vector<1x16xf32>,
      %get3A_283 = arith.index_cast %scan3A_223 : i32 to index
      %get3A_284 = arith.constant 80 : index
      %get3A_285 = tpu.vector_load %arg8[%get3A_283, %get3A_284] {strides = array<i32>} : memref<128x128xf32, #tpu.memory_space<vmem>>, vector<1x16xf32>,
      %get3A_286 = vector.shape_cast %get3A_285 : vector<1x16xf32> to vector<16xf32>
      %mul3A_287 = arith.constant 11.3137083 : f32
      %mul3A_288 = vector.broadcast %mul3A_287 : f32 to vector<16xf32>
      %mul3A_289 = arith.mulf %get3A_286, %mul3A_288 : vector<16xf32>
      %swap3A_290 = arith.index_cast %scan3A_223 : i32 to index
      %swap3A_291 = arith.constant 80 : index
      %swap3A_292 = tpu.vector_load %arg11[%swap3A_290, %swap3A_291] {strides = array<i32>} : memref<128x128xf32, #tpu.memory_space<vmem>>, vector<1x16xf32>,
      %swap3A_293 = vector.shape_cast %swap3A_292 : vector<1x16xf32> to vector<16xf32>
      %swap3A_294 = vector.shape_cast %mul3A_289 : vector<16xf32> to vector<1x16xf32>
      tpu.vector_store %arg11[%swap3A_290, %swap3A_291], %swap3A_294 {strides = array<i32>} : memref<128x128xf32, #tpu.memory_space<vmem>>, vector<1x16xf32>,
      %get3A_295 = arith.index_cast %scan3A_223 : i32 to index
      %get3A_296 = arith.constant 96 : index
      %get3A_297 = tpu.vector_load %arg8[%get3A_295, %get3A_296] {strides = array<i32>} : memref<128x128xf32, #tpu.memory_space<vmem>>, vector<1x16xf32>,
      %get3A_298 = vector.shape_cast %get3A_297 : vector<1x16xf32> to vector<16xf32>
      %mul3A_299 = arith.constant 11.3137083 : f32
      %mul3A_300 = vector.broadcast %mul3A_299 : f32 to vector<16xf32>
      %mul3A_301 = arith.mulf %get3A_298, %mul3A_300 : vector<16xf32>
      %swap3A_302 = arith.index_cast %scan3A_223 : i32 to index
      %swap3A_303 = arith.constant 96 : index
      %swap3A_304 = tpu.vector_load %arg11[%swap3A_302, %swap3A_303] {strides = array<i32>} : memref<128x128xf32, #tpu.memory_space<vmem>>, vector<1x16xf32>,
      %swap3A_305 = vector.shape_cast %swap3A_304 : vector<1x16xf32> to vector<16xf32>
      %swap3A_306 = vector.shape_cast %mul3A_301 : vector<16xf32> to vector<1x16xf32>
      tpu.vector_store %arg11[%swap3A_302, %swap3A_303], %swap3A_306 {strides = array<i32>} : memref<128x128xf32, #tpu.memory_space<vmem>>, vector<1x16xf32>,
      %get3A_307 = arith.index_cast %scan3A_223 : i32 to index
      %get3A_308 = arith.constant 112 : index
      %get3A_309 = tpu.vector_load %arg8[%get3A_307, %get3A_308] {strides = array<i32>} : memref<128x128xf32, #tpu.memory_space<vmem>>, vector<1x16xf32>,
      %get3A_310 = vector.shape_cast %get3A_309 : vector<1x16xf32> to vector<16xf32>
      %mul3A_311 = arith.constant 11.3137083 : f32
      %mul3A_312 = vector.broadcast %mul3A_311 : f32 to vector<16xf32>
      %mul3A_313 = arith.mulf %get3A_310, %mul3A_312 : vector<16xf32>
      %swap3A_314 = arith.index_cast %scan3A_223 : i32 to index
      %swap3A_315 = arith.constant 112 : index
      %swap3A_316 = tpu.vector_load %arg11[%swap3A_314, %swap3A_315] {strides = array<i32>} : memref<128x128xf32, #tpu.memory_space<vmem>>, vector<1x16xf32>,
      %swap3A_317 = vector.shape_cast %swap3A_316 : vector<1x16xf32> to vector<16xf32>
      %swap3A_318 = vector.shape_cast %mul3A_313 : vector<16xf32> to vector<1x16xf32>
      tpu.vector_store %arg11[%swap3A_314, %swap3A_315], %swap3A_318 {strides = array<i32>} : memref<128x128xf32, #tpu.memory_space<vmem>>, vector<1x16xf32>,
      %scan3A_319 = arith.constant 0 : i32
      scf.yield %scan3A_319 : i32
    }
    %scan3A_160 = arith.constant 128 : i32
    %add3A_161 = arith.constant 6016 : i32
    %add3A_162 = arith.addi %mul3A_2, %add3A_161 : i32
    %dma_start3A_163 = arith.constant 0 : i32
    %dma_start3A_164 = tpu.memref_slice %arg4[%add3A_162, %dma_start3A_163] : memref<204800x128xf32, #tpu.memory_space<hbm>> -> memref<128x128xf32, #tpu.memory_space<hbm>>
    %dma_start3A_165 = arith.constant 0 : i32
    %dma_start3A_166 = tpu.memref_slice %arg4[%add3A_162, %dma_start3A_165] : memref<204800x128xf32, #tpu.memory_space<hbm>> -> memref<128x128xf32, #tpu.memory_space<hbm>>
    tpu.enqueue_dma source(%arg11 : memref<128x128xf32, #tpu.memory_space<vmem>>) target(%dma_start3A_166 : memref<128x128xf32, #tpu.memory_space<hbm>>) target_semaphore(%arg17 : memref<!tpu.dma_semaphore, #tpu.memory_space<semaphore_mem>>)
    %dma_wait3A_167 = arith.constant 6144 : i32
    %dma_wait3A_168 = tpu.memref_slice %arg5[%dma_wait3A_167] : memref<6400xi32, #tpu.memory_space<vmem>> -> memref<128xi32, #tpu.memory_space<vmem>>
    %dma_wait3A_169 = arith.constant 0 : i32
    %dma_wait3A_170 = arith.constant 0 : i32
    %dma_wait3A_171 = tpu.memref_slice %arg3[%dma_wait3A_169, %dma_wait3A_170] : memref<100000x128xf32, #tpu.memory_space<hbm>> -> memref<100000x128xf32, #tpu.memory_space<hbm>>
    tpu.wait_indirect_dma semaphore(%arg12 : memref<!tpu.dma_semaphore, #tpu.memory_space<semaphore_mem>>) src(%dma_wait3A_171 : memref<100000x128xf32, #tpu.memory_space<hbm>>) dst(%arg6 : memref<128x128xf32, #tpu.memory_space<vmem>>)
    %dma_wait3A_172 = arith.constant 0 : i32
    %dma_wait3A_173 = tpu.memref_slice %arg4[%mul3A_2, %dma_wait3A_172] : memref<204800x128xf32, #tpu.memory_space<hbm>> -> memref<128x128xf32, #tpu.memory_space<hbm>>
    %dma_wait3A_174 = arith.constant 0 : i32
    %dma_wait3A_175 = tpu.memref_slice %arg4[%mul3A_2, %dma_wait3A_174] : memref<204800x128xf32, #tpu.memory_space<hbm>> -> memref<128x128xf32, #tpu.memory_space<hbm>>
    tpu.wait_dma2 semaphore(%arg15 : memref<!tpu.dma_semaphore, #tpu.memory_space<semaphore_mem>>) src(%arg9 : memref<128x128xf32, #tpu.memory_space<vmem>>) dst(%dma_wait3A_175 : memref<128x128xf32, #tpu.memory_space<hbm>>)
    %scan3A_176 = arith.constant 0 : i32
    %scan3A_177 = arith.constant 0 : i32
    %scan3A_178 = arith.constant 128 : i32
    %scan3A_179 = arith.addi %scan3A_177, %scan3A_178 : i32
    %scan3A_180 = arith.constant 1 : i32
    %scan3A_181 = scf.for %scan3A_223 = %scan3A_177 to %scan3A_179 step %scan3A_180 iter_args(%scan3A_224 = %scan3A_176) -> (i32)  : i32 {
      %get3A = arith.index_cast %scan3A_223 : i32 to index
      %get3A_225 = arith.constant 0 : index
      %get3A_226 = tpu.vector_load %arg6[%get3A, %get3A_225] {strides = array<i32>} : memref<128x128xf32, #tpu.memory_space<vmem>>, vector<1x16xf32>,
      %get3A_227 = vector.shape_cast %get3A_226 : vector<1x16xf32> to vector<16xf32>
      %mul3A_228 = arith.constant 11.3137083 : f32
      %mul3A_229 = vector.broadcast %mul3A_228 : f32 to vector<16xf32>
      %mul3A_230 = arith.mulf %get3A_227, %mul3A_229 : vector<16xf32>
      %swap3A = arith.index_cast %scan3A_223 : i32 to index
      %swap3A_231 = arith.constant 0 : index
      %swap3A_232 = tpu.vector_load %arg9[%swap3A, %swap3A_231] {strides = array<i32>} : memref<128x128xf32, #tpu.memory_space<vmem>>, vector<1x16xf32>,
      %swap3A_233 = vector.shape_cast %swap3A_232 : vector<1x16xf32> to vector<16xf32>
      %swap3A_234 = vector.shape_cast %mul3A_230 : vector<16xf32> to vector<1x16xf32>
      tpu.vector_store %arg9[%swap3A, %swap3A_231], %swap3A_234 {strides = array<i32>} : memref<128x128xf32, #tpu.memory_space<vmem>>, vector<1x16xf32>,
      %get3A_235 = arith.index_cast %scan3A_223 : i32 to index
      %get3A_236 = arith.constant 16 : index
      %get3A_237 = tpu.vector_load %arg6[%get3A_235, %get3A_236] {strides = array<i32>} : memref<128x128xf32, #tpu.memory_space<vmem>>, vector<1x16xf32>,
      %get3A_238 = vector.shape_cast %get3A_237 : vector<1x16xf32> to vector<16xf32>
      %mul3A_239 = arith.constant 11.3137083 : f32
      %mul3A_240 = vector.broadcast %mul3A_239 : f32 to vector<16xf32>
      %mul3A_241 = arith.mulf %get3A_238, %mul3A_240 : vector<16xf32>
      %swap3A_242 = arith.index_cast %scan3A_223 : i32 to index
      %swap3A_243 = arith.constant 16 : index
      %swap3A_244 = tpu.vector_load %arg9[%swap3A_242, %swap3A_243] {strides = array<i32>} : memref<128x128xf32, #tpu.memory_space<vmem>>, vector<1x16xf32>,
      %swap3A_245 = vector.shape_cast %swap3A_244 : vector<1x16xf32> to vector<16xf32>
      %swap3A_246 = vector.shape_cast %mul3A_241 : vector<16xf32> to vector<1x16xf32>
      tpu.vector_store %arg9[%swap3A_242, %swap3A_243], %swap3A_246 {strides = array<i32>} : memref<128x128xf32, #tpu.memory_space<vmem>>, vector<1x16xf32>,
      %get3A_247 = arith.index_cast %scan3A_223 : i32 to index
      %get3A_248 = arith.constant 32 : index
      %get3A_249 = tpu.vector_load %arg6[%get3A_247, %get3A_248] {strides = array<i32>} : memref<128x128xf32, #tpu.memory_space<vmem>>, vector<1x16xf32>,
      %get3A_250 = vector.shape_cast %get3A_249 : vector<1x16xf32> to vector<16xf32>
      %mul3A_251 = arith.constant 11.3137083 : f32
      %mul3A_252 = vector.broadcast %mul3A_251 : f32 to vector<16xf32>
      %mul3A_253 = arith.mulf %get3A_250, %mul3A_252 : vector<16xf32>
      %swap3A_254 = arith.index_cast %scan3A_223 : i32 to index
      %swap3A_255 = arith.constant 32 : index
      %swap3A_256 = tpu.vector_load %arg9[%swap3A_254, %swap3A_255] {strides = array<i32>} : memref<128x128xf32, #tpu.memory_space<vmem>>, vector<1x16xf32>,
      %swap3A_257 = vector.shape_cast %swap3A_256 : vector<1x16xf32> to vector<16xf32>
      %swap3A_258 = vector.shape_cast %mul3A_253 : vector<16xf32> to vector<1x16xf32>
      tpu.vector_store %arg9[%swap3A_254, %swap3A_255], %swap3A_258 {strides = array<i32>} : memref<128x128xf32, #tpu.memory_space<vmem>>, vector<1x16xf32>,
      %get3A_259 = arith.index_cast %scan3A_223 : i32 to index
      %get3A_260 = arith.constant 48 : index
      %get3A_261 = tpu.vector_load %arg6[%get3A_259, %get3A_260] {strides = array<i32>} : memref<128x128xf32, #tpu.memory_space<vmem>>, vector<1x16xf32>,
      %get3A_262 = vector.shape_cast %get3A_261 : vector<1x16xf32> to vector<16xf32>
      %mul3A_263 = arith.constant 11.3137083 : f32
      %mul3A_264 = vector.broadcast %mul3A_263 : f32 to vector<16xf32>
      %mul3A_265 = arith.mulf %get3A_262, %mul3A_264 : vector<16xf32>
      %swap3A_266 = arith.index_cast %scan3A_223 : i32 to index
      %swap3A_267 = arith.constant 48 : index
      %swap3A_268 = tpu.vector_load %arg9[%swap3A_266, %swap3A_267] {strides = array<i32>} : memref<128x128xf32, #tpu.memory_space<vmem>>, vector<1x16xf32>,
      %swap3A_269 = vector.shape_cast %swap3A_268 : vector<1x16xf32> to vector<16xf32>
      %swap3A_270 = vector.shape_cast %mul3A_265 : vector<16xf32> to vector<1x16xf32>
      tpu.vector_store %arg9[%swap3A_266, %swap3A_267], %swap3A_270 {strides = array<i32>} : memref<128x128xf32, #tpu.memory_space<vmem>>, vector<1x16xf32>,
      %get3A_271 = arith.index_cast %scan3A_223 : i32 to index
      %get3A_272 = arith.constant 64 : index
      %get3A_273 = tpu.vector_load %arg6[%get3A_271, %get3A_272] {strides = array<i32>} : memref<128x128xf32, #tpu.memory_space<vmem>>, vector<1x16xf32>,
      %get3A_274 = vector.shape_cast %get3A_273 : vector<1x16xf32> to vector<16xf32>
      %mul3A_275 = arith.constant 11.3137083 : f32
      %mul3A_276 = vector.broadcast %mul3A_275 : f32 to vector<16xf32>
      %mul3A_277 = arith.mulf %get3A_274, %mul3A_276 : vector<16xf32>
      %swap3A_278 = arith.index_cast %scan3A_223 : i32 to index
      %swap3A_279 = arith.constant 64 : index
      %swap3A_280 = tpu.vector_load %arg9[%swap3A_278, %swap3A_279] {strides = array<i32>} : memref<128x128xf32, #tpu.memory_space<vmem>>, vector<1x16xf32>,
      %swap3A_281 = vector.shape_cast %swap3A_280 : vector<1x16xf32> to vector<16xf32>
      %swap3A_282 = vector.shape_cast %mul3A_277 : vector<16xf32> to vector<1x16xf32>
      tpu.vector_store %arg9[%swap3A_278, %swap3A_279], %swap3A_282 {strides = array<i32>} : memref<128x128xf32, #tpu.memory_space<vmem>>, vector<1x16xf32>,
      %get3A_283 = arith.index_cast %scan3A_223 : i32 to index
      %get3A_284 = arith.constant 80 : index
      %get3A_285 = tpu.vector_load %arg6[%get3A_283, %get3A_284] {strides = array<i32>} : memref<128x128xf32, #tpu.memory_space<vmem>>, vector<1x16xf32>,
      %get3A_286 = vector.shape_cast %get3A_285 : vector<1x16xf32> to vector<16xf32>
      %mul3A_287 = arith.constant 11.3137083 : f32
      %mul3A_288 = vector.broadcast %mul3A_287 : f32 to vector<16xf32>
      %mul3A_289 = arith.mulf %get3A_286, %mul3A_288 : vector<16xf32>
      %swap3A_290 = arith.index_cast %scan3A_223 : i32 to index
      %swap3A_291 = arith.constant 80 : index
      %swap3A_292 = tpu.vector_load %arg9[%swap3A_290, %swap3A_291] {strides = array<i32>} : memref<128x128xf32, #tpu.memory_space<vmem>>, vector<1x16xf32>,
      %swap3A_293 = vector.shape_cast %swap3A_292 : vector<1x16xf32> to vector<16xf32>
      %swap3A_294 = vector.shape_cast %mul3A_289 : vector<16xf32> to vector<1x16xf32>
      tpu.vector_store %arg9[%swap3A_290, %swap3A_291], %swap3A_294 {strides = array<i32>} : memref<128x128xf32, #tpu.memory_space<vmem>>, vector<1x16xf32>,
      %get3A_295 = arith.index_cast %scan3A_223 : i32 to index
      %get3A_296 = arith.constant 96 : index
      %get3A_297 = tpu.vector_load %arg6[%get3A_295, %get3A_296] {strides = array<i32>} : memref<128x128xf32, #tpu.memory_space<vmem>>, vector<1x16xf32>,
      %get3A_298 = vector.shape_cast %get3A_297 : vector<1x16xf32> to vector<16xf32>
      %mul3A_299 = arith.constant 11.3137083 : f32
      %mul3A_300 = vector.broadcast %mul3A_299 : f32 to vector<16xf32>
      %mul3A_301 = arith.mulf %get3A_298, %mul3A_300 : vector<16xf32>
      %swap3A_302 = arith.index_cast %scan3A_223 : i32 to index
      %swap3A_303 = arith.constant 96 : index
      %swap3A_304 = tpu.vector_load %arg9[%swap3A_302, %swap3A_303] {strides = array<i32>} : memref<128x128xf32, #tpu.memory_space<vmem>>, vector<1x16xf32>,
      %swap3A_305 = vector.shape_cast %swap3A_304 : vector<1x16xf32> to vector<16xf32>
      %swap3A_306 = vector.shape_cast %mul3A_301 : vector<16xf32> to vector<1x16xf32>
      tpu.vector_store %arg9[%swap3A_302, %swap3A_303], %swap3A_306 {strides = array<i32>} : memref<128x128xf32, #tpu.memory_space<vmem>>, vector<1x16xf32>,
      %get3A_307 = arith.index_cast %scan3A_223 : i32 to index
      %get3A_308 = arith.constant 112 : index
      %get3A_309 = tpu.vector_load %arg6[%get3A_307, %get3A_308] {strides = array<i32>} : memref<128x128xf32, #tpu.memory_space<vmem>>, vector<1x16xf32>,
      %get3A_310 = vector.shape_cast %get3A_309 : vector<1x16xf32> to vector<16xf32>
      %mul3A_311 = arith.constant 11.3137083 : f32
      %mul3A_312 = vector.broadcast %mul3A_311 : f32 to vector<16xf32>
      %mul3A_313 = arith.mulf %get3A_310, %mul3A_312 : vector<16xf32>
      %swap3A_314 = arith.index_cast %scan3A_223 : i32 to index
      %swap3A_315 = arith.constant 112 : index
      %swap3A_316 = tpu.vector_load %arg9[%swap3A_314, %swap3A_315] {strides = array<i32>} : memref<128x128xf32, #tpu.memory_space<vmem>>, vector<1x16xf32>,
      %swap3A_317 = vector.shape_cast %swap3A_316 : vector<1x16xf32> to vector<16xf32>
      %swap3A_318 = vector.shape_cast %mul3A_313 : vector<16xf32> to vector<1x16xf32>
      tpu.vector_store %arg9[%swap3A_314, %swap3A_315], %swap3A_318 {strides = array<i32>} : memref<128x128xf32, #tpu.memory_space<vmem>>, vector<1x16xf32>,
      %scan3A_319 = arith.constant 0 : i32
      scf.yield %scan3A_319 : i32
    }
    %scan3A_182 = arith.constant 128 : i32
    %add3A_183 = arith.constant 6144 : i32
    %add3A_184 = arith.addi %mul3A_2, %add3A_183 : i32
    %dma_start3A_185 = arith.constant 0 : i32
    %dma_start3A_186 = tpu.memref_slice %arg4[%add3A_184, %dma_start3A_185] : memref<204800x128xf32, #tpu.memory_space<hbm>> -> memref<128x128xf32, #tpu.memory_space<hbm>>
    %dma_start3A_187 = arith.constant 0 : i32
    %dma_start3A_188 = tpu.memref_slice %arg4[%add3A_184, %dma_start3A_187] : memref<204800x128xf32, #tpu.memory_space<hbm>> -> memref<128x128xf32, #tpu.memory_space<hbm>>
    tpu.enqueue_dma source(%arg9 : memref<128x128xf32, #tpu.memory_space<vmem>>) target(%dma_start3A_188 : memref<128x128xf32, #tpu.memory_space<hbm>>) target_semaphore(%arg15 : memref<!tpu.dma_semaphore, #tpu.memory_space<semaphore_mem>>)
    %dma_wait3A_189 = arith.constant 6272 : i32
    %dma_wait3A_190 = tpu.memref_slice %arg5[%dma_wait3A_189] : memref<6400xi32, #tpu.memory_space<vmem>> -> memref<128xi32, #tpu.memory_space<vmem>>
    %dma_wait3A_191 = arith.constant 0 : i32
    %dma_wait3A_192 = arith.constant 0 : i32
    %dma_wait3A_193 = tpu.memref_slice %arg3[%dma_wait3A_191, %dma_wait3A_192] : memref<100000x128xf32, #tpu.memory_space<hbm>> -> memref<100000x128xf32, #tpu.memory_space<hbm>>
    tpu.wait_indirect_dma semaphore(%arg13 : memref<!tpu.dma_semaphore, #tpu.memory_space<semaphore_mem>>) src(%dma_wait3A_193 : memref<100000x128xf32, #tpu.memory_space<hbm>>) dst(%arg7 : memref<128x128xf32, #tpu.memory_space<vmem>>)
    %dma_wait3A_194 = arith.constant 0 : i32
    %dma_wait3A_195 = tpu.memref_slice %arg4[%mul3A_2, %dma_wait3A_194] : memref<204800x128xf32, #tpu.memory_space<hbm>> -> memref<128x128xf32, #tpu.memory_space<hbm>>
    %dma_wait3A_196 = arith.constant 0 : i32
    %dma_wait3A_197 = tpu.memref_slice %arg4[%mul3A_2, %dma_wait3A_196] : memref<204800x128xf32, #tpu.memory_space<hbm>> -> memref<128x128xf32, #tpu.memory_space<hbm>>
    tpu.wait_dma2 semaphore(%arg16 : memref<!tpu.dma_semaphore, #tpu.memory_space<semaphore_mem>>) src(%arg10 : memref<128x128xf32, #tpu.memory_space<vmem>>) dst(%dma_wait3A_197 : memref<128x128xf32, #tpu.memory_space<hbm>>)
    %scan3A_198 = arith.constant 0 : i32
    %scan3A_199 = arith.constant 0 : i32
    %scan3A_200 = arith.constant 128 : i32
    %scan3A_201 = arith.addi %scan3A_199, %scan3A_200 : i32
    %scan3A_202 = arith.constant 1 : i32
    %scan3A_203 = scf.for %scan3A_223 = %scan3A_199 to %scan3A_201 step %scan3A_202 iter_args(%scan3A_224 = %scan3A_198) -> (i32)  : i32 {
      %get3A = arith.index_cast %scan3A_223 : i32 to index
      %get3A_225 = arith.constant 0 : index
      %get3A_226 = tpu.vector_load %arg7[%get3A, %get3A_225] {strides = array<i32>} : memref<128x128xf32, #tpu.memory_space<vmem>>, vector<1x16xf32>,
      %get3A_227 = vector.shape_cast %get3A_226 : vector<1x16xf32> to vector<16xf32>
      %mul3A_228 = arith.constant 11.3137083 : f32
      %mul3A_229 = vector.broadcast %mul3A_228 : f32 to vector<16xf32>
      %mul3A_230 = arith.mulf %get3A_227, %mul3A_229 : vector<16xf32>
      %swap3A = arith.index_cast %scan3A_223 : i32 to index
      %swap3A_231 = arith.constant 0 : index
      %swap3A_232 = tpu.vector_load %arg10[%swap3A, %swap3A_231] {strides = array<i32>} : memref<128x128xf32, #tpu.memory_space<vmem>>, vector<1x16xf32>,
      %swap3A_233 = vector.shape_cast %swap3A_232 : vector<1x16xf32> to vector<16xf32>
      %swap3A_234 = vector.shape_cast %mul3A_230 : vector<16xf32> to vector<1x16xf32>
      tpu.vector_store %arg10[%swap3A, %swap3A_231], %swap3A_234 {strides = array<i32>} : memref<128x128xf32, #tpu.memory_space<vmem>>, vector<1x16xf32>,
      %get3A_235 = arith.index_cast %scan3A_223 : i32 to index
      %get3A_236 = arith.constant 16 : index
      %get3A_237 = tpu.vector_load %arg7[%get3A_235, %get3A_236] {strides = array<i32>} : memref<128x128xf32, #tpu.memory_space<vmem>>, vector<1x16xf32>,
      %get3A_238 = vector.shape_cast %get3A_237 : vector<1x16xf32> to vector<16xf32>
      %mul3A_239 = arith.constant 11.3137083 : f32
      %mul3A_240 = vector.broadcast %mul3A_239 : f32 to vector<16xf32>
      %mul3A_241 = arith.mulf %get3A_238, %mul3A_240 : vector<16xf32>
      %swap3A_242 = arith.index_cast %scan3A_223 : i32 to index
      %swap3A_243 = arith.constant 16 : index
      %swap3A_244 = tpu.vector_load %arg10[%swap3A_242, %swap3A_243] {strides = array<i32>} : memref<128x128xf32, #tpu.memory_space<vmem>>, vector<1x16xf32>,
      %swap3A_245 = vector.shape_cast %swap3A_244 : vector<1x16xf32> to vector<16xf32>
      %swap3A_246 = vector.shape_cast %mul3A_241 : vector<16xf32> to vector<1x16xf32>
      tpu.vector_store %arg10[%swap3A_242, %swap3A_243], %swap3A_246 {strides = array<i32>} : memref<128x128xf32, #tpu.memory_space<vmem>>, vector<1x16xf32>,
      %get3A_247 = arith.index_cast %scan3A_223 : i32 to index
      %get3A_248 = arith.constant 32 : index
      %get3A_249 = tpu.vector_load %arg7[%get3A_247, %get3A_248] {strides = array<i32>} : memref<128x128xf32, #tpu.memory_space<vmem>>, vector<1x16xf32>,
      %get3A_250 = vector.shape_cast %get3A_249 : vector<1x16xf32> to vector<16xf32>
      %mul3A_251 = arith.constant 11.3137083 : f32
      %mul3A_252 = vector.broadcast %mul3A_251 : f32 to vector<16xf32>
      %mul3A_253 = arith.mulf %get3A_250, %mul3A_252 : vector<16xf32>
      %swap3A_254 = arith.index_cast %scan3A_223 : i32 to index
      %swap3A_255 = arith.constant 32 : index
      %swap3A_256 = tpu.vector_load %arg10[%swap3A_254, %swap3A_255] {strides = array<i32>} : memref<128x128xf32, #tpu.memory_space<vmem>>, vector<1x16xf32>,
      %swap3A_257 = vector.shape_cast %swap3A_256 : vector<1x16xf32> to vector<16xf32>
      %swap3A_258 = vector.shape_cast %mul3A_253 : vector<16xf32> to vector<1x16xf32>
      tpu.vector_store %arg10[%swap3A_254, %swap3A_255], %swap3A_258 {strides = array<i32>} : memref<128x128xf32, #tpu.memory_space<vmem>>, vector<1x16xf32>,
      %get3A_259 = arith.index_cast %scan3A_223 : i32 to index
      %get3A_260 = arith.constant 48 : index
      %get3A_261 = tpu.vector_load %arg7[%get3A_259, %get3A_260] {strides = array<i32>} : memref<128x128xf32, #tpu.memory_space<vmem>>, vector<1x16xf32>,
      %get3A_262 = vector.shape_cast %get3A_261 : vector<1x16xf32> to vector<16xf32>
      %mul3A_263 = arith.constant 11.3137083 : f32
      %mul3A_264 = vector.broadcast %mul3A_263 : f32 to vector<16xf32>
      %mul3A_265 = arith.mulf %get3A_262, %mul3A_264 : vector<16xf32>
      %swap3A_266 = arith.index_cast %scan3A_223 : i32 to index
      %swap3A_267 = arith.constant 48 : index
      %swap3A_268 = tpu.vector_load %arg10[%swap3A_266, %swap3A_267] {strides = array<i32>} : memref<128x128xf32, #tpu.memory_space<vmem>>, vector<1x16xf32>,
      %swap3A_269 = vector.shape_cast %swap3A_268 : vector<1x16xf32> to vector<16xf32>
      %swap3A_270 = vector.shape_cast %mul3A_265 : vector<16xf32> to vector<1x16xf32>
      tpu.vector_store %arg10[%swap3A_266, %swap3A_267], %swap3A_270 {strides = array<i32>} : memref<128x128xf32, #tpu.memory_space<vmem>>, vector<1x16xf32>,
      %get3A_271 = arith.index_cast %scan3A_223 : i32 to index
      %get3A_272 = arith.constant 64 : index
      %get3A_273 = tpu.vector_load %arg7[%get3A_271, %get3A_272] {strides = array<i32>} : memref<128x128xf32, #tpu.memory_space<vmem>>, vector<1x16xf32>,
      %get3A_274 = vector.shape_cast %get3A_273 : vector<1x16xf32> to vector<16xf32>
      %mul3A_275 = arith.constant 11.3137083 : f32
      %mul3A_276 = vector.broadcast %mul3A_275 : f32 to vector<16xf32>
      %mul3A_277 = arith.mulf %get3A_274, %mul3A_276 : vector<16xf32>
      %swap3A_278 = arith.index_cast %scan3A_223 : i32 to index
      %swap3A_279 = arith.constant 64 : index
      %swap3A_280 = tpu.vector_load %arg10[%swap3A_278, %swap3A_279] {strides = array<i32>} : memref<128x128xf32, #tpu.memory_space<vmem>>, vector<1x16xf32>,
      %swap3A_281 = vector.shape_cast %swap3A_280 : vector<1x16xf32> to vector<16xf32>
      %swap3A_282 = vector.shape_cast %mul3A_277 : vector<16xf32> to vector<1x16xf32>
      tpu.vector_store %arg10[%swap3A_278, %swap3A_279], %swap3A_282 {strides = array<i32>} : memref<128x128xf32, #tpu.memory_space<vmem>>, vector<1x16xf32>,
      %get3A_283 = arith.index_cast %scan3A_223 : i32 to index
      %get3A_284 = arith.constant 80 : index
      %get3A_285 = tpu.vector_load %arg7[%get3A_283, %get3A_284] {strides = array<i32>} : memref<128x128xf32, #tpu.memory_space<vmem>>, vector<1x16xf32>,
      %get3A_286 = vector.shape_cast %get3A_285 : vector<1x16xf32> to vector<16xf32>
      %mul3A_287 = arith.constant 11.3137083 : f32
      %mul3A_288 = vector.broadcast %mul3A_287 : f32 to vector<16xf32>
      %mul3A_289 = arith.mulf %get3A_286, %mul3A_288 : vector<16xf32>
      %swap3A_290 = arith.index_cast %scan3A_223 : i32 to index
      %swap3A_291 = arith.constant 80 : index
      %swap3A_292 = tpu.vector_load %arg10[%swap3A_290, %swap3A_291] {strides = array<i32>} : memref<128x128xf32, #tpu.memory_space<vmem>>, vector<1x16xf32>,
      %swap3A_293 = vector.shape_cast %swap3A_292 : vector<1x16xf32> to vector<16xf32>
      %swap3A_294 = vector.shape_cast %mul3A_289 : vector<16xf32> to vector<1x16xf32>
      tpu.vector_store %arg10[%swap3A_290, %swap3A_291], %swap3A_294 {strides = array<i32>} : memref<128x128xf32, #tpu.memory_space<vmem>>, vector<1x16xf32>,
      %get3A_295 = arith.index_cast %scan3A_223 : i32 to index
      %get3A_296 = arith.constant 96 : index
      %get3A_297 = tpu.vector_load %arg7[%get3A_295, %get3A_296] {strides = array<i32>} : memref<128x128xf32, #tpu.memory_space<vmem>>, vector<1x16xf32>,
      %get3A_298 = vector.shape_cast %get3A_297 : vector<1x16xf32> to vector<16xf32>
      %mul3A_299 = arith.constant 11.3137083 : f32
      %mul3A_300 = vector.broadcast %mul3A_299 : f32 to vector<16xf32>
      %mul3A_301 = arith.mulf %get3A_298, %mul3A_300 : vector<16xf32>
      %swap3A_302 = arith.index_cast %scan3A_223 : i32 to index
      %swap3A_303 = arith.constant 96 : index
      %swap3A_304 = tpu.vector_load %arg10[%swap3A_302, %swap3A_303] {strides = array<i32>} : memref<128x128xf32, #tpu.memory_space<vmem>>, vector<1x16xf32>,
      %swap3A_305 = vector.shape_cast %swap3A_304 : vector<1x16xf32> to vector<16xf32>
      %swap3A_306 = vector.shape_cast %mul3A_301 : vector<16xf32> to vector<1x16xf32>
      tpu.vector_store %arg10[%swap3A_302, %swap3A_303], %swap3A_306 {strides = array<i32>} : memref<128x128xf32, #tpu.memory_space<vmem>>, vector<1x16xf32>,
      %get3A_307 = arith.index_cast %scan3A_223 : i32 to index
      %get3A_308 = arith.constant 112 : index
      %get3A_309 = tpu.vector_load %arg7[%get3A_307, %get3A_308] {strides = array<i32>} : memref<128x128xf32, #tpu.memory_space<vmem>>, vector<1x16xf32>,
      %get3A_310 = vector.shape_cast %get3A_309 : vector<1x16xf32> to vector<16xf32>
      %mul3A_311 = arith.constant 11.3137083 : f32
      %mul3A_312 = vector.broadcast %mul3A_311 : f32 to vector<16xf32>
      %mul3A_313 = arith.mulf %get3A_310, %mul3A_312 : vector<16xf32>
      %swap3A_314 = arith.index_cast %scan3A_223 : i32 to index
      %swap3A_315 = arith.constant 112 : index
      %swap3A_316 = tpu.vector_load %arg10[%swap3A_314, %swap3A_315] {strides = array<i32>} : memref<128x128xf32, #tpu.memory_space<vmem>>, vector<1x16xf32>,
      %swap3A_317 = vector.shape_cast %swap3A_316 : vector<1x16xf32> to vector<16xf32>
      %swap3A_318 = vector.shape_cast %mul3A_313 : vector<16xf32> to vector<1x16xf32>
      tpu.vector_store %arg10[%swap3A_314, %swap3A_315], %swap3A_318 {strides = array<i32>} : memref<128x128xf32, #tpu.memory_space<vmem>>, vector<1x16xf32>,
      %scan3A_319 = arith.constant 0 : i32
      scf.yield %scan3A_319 : i32
    }
    %scan3A_204 = arith.constant 128 : i32
    %add3A_205 = arith.constant 6272 : i32
    %add3A_206 = arith.addi %mul3A_2, %add3A_205 : i32
    %dma_start3A_207 = arith.constant 0 : i32
    %dma_start3A_208 = tpu.memref_slice %arg4[%add3A_206, %dma_start3A_207] : memref<204800x128xf32, #tpu.memory_space<hbm>> -> memref<128x128xf32, #tpu.memory_space<hbm>>
    %dma_start3A_209 = arith.constant 0 : i32
    %dma_start3A_210 = tpu.memref_slice %arg4[%add3A_206, %dma_start3A_209] : memref<204800x128xf32, #tpu.memory_space<hbm>> -> memref<128x128xf32, #tpu.memory_space<hbm>>
    tpu.enqueue_dma source(%arg10 : memref<128x128xf32, #tpu.memory_space<vmem>>) target(%dma_start3A_210 : memref<128x128xf32, #tpu.memory_space<hbm>>) target_semaphore(%arg16 : memref<!tpu.dma_semaphore, #tpu.memory_space<semaphore_mem>>)
    %dma_wait3A_211 = arith.constant 0 : i32
    %dma_wait3A_212 = tpu.memref_slice %arg4[%mul3A_2, %dma_wait3A_211] : memref<204800x128xf32, #tpu.memory_space<hbm>> -> memref<128x128xf32, #tpu.memory_space<hbm>>
    %dma_wait3A_213 = arith.constant 0 : i32
    %dma_wait3A_214 = tpu.memref_slice %arg4[%mul3A_2, %dma_wait3A_213] : memref<204800x128xf32, #tpu.memory_space<hbm>> -> memref<128x128xf32, #tpu.memory_space<hbm>>
    tpu.wait_dma2 semaphore(%arg17 : memref<!tpu.dma_semaphore, #tpu.memory_space<semaphore_mem>>) src(%arg11 : memref<128x128xf32, #tpu.memory_space<vmem>>) dst(%dma_wait3A_214 : memref<128x128xf32, #tpu.memory_space<hbm>>)
    %dma_wait3A_215 = arith.constant 0 : i32
    %dma_wait3A_216 = tpu.memref_slice %arg4[%mul3A_2, %dma_wait3A_215] : memref<204800x128xf32, #tpu.memory_space<hbm>> -> memref<128x128xf32, #tpu.memory_space<hbm>>
    %dma_wait3A_217 = arith.constant 0 : i32
    %dma_wait3A_218 = tpu.memref_slice %arg4[%mul3A_2, %dma_wait3A_217] : memref<204800x128xf32, #tpu.memory_space<hbm>> -> memref<128x128xf32, #tpu.memory_space<hbm>>
    tpu.wait_dma2 semaphore(%arg15 : memref<!tpu.dma_semaphore, #tpu.memory_space<semaphore_mem>>) src(%arg9 : memref<128x128xf32, #tpu.memory_space<vmem>>) dst(%dma_wait3A_218 : memref<128x128xf32, #tpu.memory_space<hbm>>)
    %dma_wait3A_219 = arith.constant 0 : i32
    %dma_wait3A_220 = tpu.memref_slice %arg4[%mul3A_2, %dma_wait3A_219] : memref<204800x128xf32, #tpu.memory_space<hbm>> -> memref<128x128xf32, #tpu.memory_space<hbm>>
    %dma_wait3A_221 = arith.constant 0 : i32
    %dma_wait3A_222 = tpu.memref_slice %arg4[%mul3A_2, %dma_wait3A_221] : memref<204800x128xf32, #tpu.memory_space<hbm>> -> memref<128x128xf32, #tpu.memory_space<hbm>>
    tpu.wait_dma2 semaphore(%arg16 : memref<!tpu.dma_semaphore, #tpu.memory_space<semaphore_mem>>) src(%arg10 : memref<128x128xf32, #tpu.memory_space<vmem>>) dst(%dma_wait3A_222 : memref<128x128xf32, #tpu.memory_space<hbm>>)
    return
  }
}

</mosaic_0001>

<sc_bundles>
// kernel: kernel.3.cloned.1.call-start
scs
__scs_entry_jumppad:
0x0: {  	(pc) =	sbr.rel $0x88, $3  }
0x1: {  	(tag) =	ssettag $0x0;
	lr =	simm.s32 $0x1  }
0x2: {  	[smem:$0x3F9F] =	sst lr;
	_ =	strace $0xD0000000  }
0x3: {  	_ = 	snop  }
0x4: {  	_ = 	snop  }
0x5: {  	_ = 	snop  }
0x6: {  	_ = 	snop  }
0x7: {  	_ = 	snop  }
__scs_overlays_trampoline_lowered:
0x8: {  	[smem:$0x3FAE] =	sst s0  }
0x9: {  	[smem:$0x3FAF] =	sst s1  }
0xa: {  	[smem:$0x3FB0] =	sst s2  }
0xb: {  	[smem:$0x3FB1] =	sst s3  }
0xc: {  	[smem:$0x3FB2] =	sst s4  }
0xd: {  	[smem:$0x3FB3] =	sst s5  }
0xe: {  	[smem:$0x3FB4] =	sst s6  }
0xf: {  	[smem:$0x3FB5] =	sst s7  }
0x10: {  	[smem:$0x3FB6] =	sst s8  }
0x11: {  	[smem:$0x3FB7] =	sst s9;
	s0 =	simm.s32 @!p0 $0x0  }
0x12: {  	s1 =	sld [smem:$0x3F9D];
	s0 =	simm.s32 @p0 $0x1  }
0x13: {  	[smem:$0x3FB8] =	sst s0;
	s0 =	simm.s32 @!p1 $0x0  }
0x14: {  	s2 =	sld [smem:$0x3F9C];
	s0 =	simm.s32 @p1 $0x1  }
0x15: {  	[smem:$0x3FB9] =	sst s0;
	s0 =	simm.s32 @!p2 $0x0  }
0x16: {  	s3 =	sld [smem:$0x3FDB];
	s0 =	simm.s32 @p2 $0x1  }
0x17: {  	s4 =	simm.s32 $0x1BF5;
	[smem:$0x3FBB] =	sst s0  }
0x18: {  	s0 =	sld [smem:$0x3F9E];
	_ =	swait.ge [sflag:s4], $0x0  }
0x19: {  	s7 =	sld [smem:$0x3F9F]  }
0x1a: {  	s8 =	sadd.s32 $0xFFFFE003, lr  }
0x1b: {  	s9 =	sadd.s32 $0xFFFFFEF7, lr;
	s5 =	simm.s32 $0xFFFFFFFF;
	p2 =	slt.u32 s8, $0xFFFFF086  }
0x1c: {  	p1 =	slt.u32 s9, $0xF7A;
	s5 =	simm.s32 @!p2 $0x0  }
0x1d: {  	s5 =	simm.s32 @p1 $0x1;
	p0 =	seq.s32 s7, s2  }
0x1e: {  	s7 =	smul.u32 @!p0 $0xF7A, s2;
	p2 =	seq.s32 @!p0 s5, $0x0  }
0x1f: {  	s9 =	smul.u32 $0xF7A, s1;
	s8 =	simm.s32 @!p0 $0x1BF5;
	p2 =	por !p2, p0  }
0x20: {  	[sflag:s8] =	ssyncset.s32 @!p0 $0xFFFFF086;
	s6 =	sadd.s32 @!p0 s3, s7;
	s7 =	simm.s32 @!p0 $0x108  }
0x21: {  	s3 =	sadd.s32 s3, s9;
	s6 =	sadd.s32 @!p0 $0x88, s6;
	s7 =	simm.s32 @p2 $0x1082  }
0x22: {  	[simem:s7], [sflag:s8] =	dma.local @!p0 [hbm:s6], $0xF7A  }
0x23: {  	s9 =	sor.u32 $0xD0000000, s2;
	s6 =	simm.s32 $0x108;
	_ =	swait.ge @!p0 [sflag:s8], $0x0  }
0x24: {  	s3 =	sadd.s32 $0x88, s3;
	s6 =	simm.s32 @!p1 $0x1082;
	[sflag:s4] =	ssyncset.s32 $0xFFFFF086  }
0x25: {  	[simem:s6], [sflag:s4] =	dma.local [hbm:s3], $0xF7A  }
0x26: {  	[smem:$0x3F9F] =	sst s1;
	(tag) =	ssettag s2;
	_ =	strace s9  }
0x27: {  	s1 =	sld [smem:$0x3FAF]  }
0x28: {  	s2 =	sld [smem:$0x3FB0]  }
0x29: {  	s4 =	sld [smem:$0x3FB2]  }
0x2a: {  	p0 =	seq.s32 s5, $0x0;
	s5 =	sld [smem:$0x3FB3]  }
0x2b: {  	s6 =	sld [smem:$0x3FB4]  }
0x2c: {  	s7 =	sld [smem:$0x3FB5]  }
0x2d: {  	s3 =	simm.s32 $0x108;
	s8 =	sld [smem:$0x3FB6]  }
0x2e: {  	s3 =	simm.s32 @!p0 $0x1082;
	s9 =	sld [smem:$0x3FB7]  }
0x2f: {  	lr =	sadd.s32 s0, s3;
	s0 =	sld [smem:$0x3FAE]  }
0x30: {  	s3 =	sld [smem:$0x3FB1]  }
0x31: {  	[smem:$0x3FBA] =	sst s10  }
0x32: {  	s10 =	sld [smem:$0x3FB8];
	_ =	sdelay $0x3  }
0x33: {  	p0 =	seq.s32 s10, $0x1;
	s10 =	sld [smem:$0x3FBA];
	_ =	sdelay $0x3  }
0x34: {  	[smem:$0x3FBA] =	sst s10  }
0x35: {  	s10 =	sld [smem:$0x3FB9];
	_ =	sdelay $0x3  }
0x36: {  	p1 =	seq.s32 s10, $0x1;
	s10 =	sld [smem:$0x3FBA];
	_ =	sdelay $0x3  }
0x37: {  	[smem:$0x3FBA] =	sst s10  }
0x38: {  	s10 =	sld [smem:$0x3FBB]  }
0x39: {  	_ = 	snop;
	(pc) =	sbr.ind lr, $3  }
0x3a: {  	_ = 	snop  }
0x3b: {  	_ = 	snop  }
0x3c: {  	p2 =	seq.s32 s10, $0x1;
	s10 =	sld [smem:$0x3FBA]  }
0x3d: {  	_ =	shalt  }
0x3e: {  	_ =	shalt  }
0x3f: {  	_ =	shalt  }
0x40: {  	_ =	shalt  }
0x41: {  	_ =	shalt  }
0x42: {  	_ =	shalt  }
0x43: {  	_ =	shalt  }
0x44: {  	_ =	shalt  }
0x45: {  	_ =	shalt  }
0x46: {  	_ =	shalt  }
0x47: {  	_ =	shalt  }
0x48: {  	_ =	shalt  }
0x49: {  	_ =	shalt  }
0x4a: {  	_ =	shalt  }
0x4b: {  	_ =	shalt  }
0x4c: {  	_ =	shalt  }
0x4d: {  	_ =	shalt  }
0x4e: {  	_ =	shalt  }
0x4f: {  	_ =	shalt  }
0x50: {  	_ =	shalt  }
0x51: {  	_ =	shalt  }
0x52: {  	_ =	shalt  }
0x53: {  	_ =	shalt  }
0x54: {  	_ =	shalt  }
0x55: {  	_ =	shalt  }
0x56: {  	_ =	shalt  }
0x57: {  	_ =	shalt  }
0x58: {  	_ =	shalt  }
0x59: {  	_ =	shalt  }
0x5a: {  	_ =	shalt  }
0x5b: {  	_ =	shalt  }
0x5c: {  	_ =	shalt  }
0x5d: {  	_ =	shalt  }
0x5e: {  	_ =	shalt  }
0x5f: {  	_ =	shalt  }
0x60: {  	_ =	shalt  }
0x61: {  	_ =	shalt  }
0x62: {  	_ =	shalt  }
0x63: {  	_ =	shalt  }
0x64: {  	_ =	shalt  }
0x65: {  	_ =	shalt  }
0x66: {  	_ =	shalt  }
0x67: {  	_ =	shalt  }
0x68: {  	_ =	shalt  }
0x69: {  	_ =	shalt  }
0x6a: {  	_ =	shalt  }
0x6b: {  	_ =	shalt  }
0x6c: {  	_ =	shalt  }
0x6d: {  	_ =	shalt  }
0x6e: {  	_ =	shalt  }
0x6f: {  	_ =	shalt  }
0x70: {  	_ =	shalt  }
0x71: {  	_ =	shalt  }
0x72: {  	_ =	shalt  }
0x73: {  	_ =	shalt  }
0x74: {  	_ =	shalt  }
0x75: {  	_ =	shalt  }
0x76: {  	_ =	shalt  }
0x77: {  	_ =	shalt  }
0x78: {  	_ =	shalt  }
0x79: {  	_ =	shalt  }
0x7a: {  	_ =	shalt  }
0x7b: {  	_ =	shalt  }
0x7c: {  	_ =	shalt  }
0x7d: {  	_ =	shalt  }
0x7e: {  	_ =	shalt  }
0x7f: {  	_ =	shalt  }
0x80: {  	_ =	shalt  }
0x81: {  	_ =	shalt  }
0x82: {  	_ =	shalt  }
0x83: {  	_ =	shalt  }
0x84: {  	_ =	shalt  }
0x85: {  	_ =	shalt  }
0x86: {  	_ =	shalt  }
0x87: {  	_ =	shalt  }
.Lfunc_end0:
.L_simem_size_0:
called_computation_lowered:
.L_overlay_start_0:
0x88: {  	s2 =	sld [smem:$0x3FD9]  }
0x89: {  	s3 =	sld [smem:$0x3FFE];
	_ =	sdelay $0x1  }
0x8a: {  	s1 =	srdreg.scid  }
0x8b: {  	s0 =	sand.u32 $0x1, s1  }
0x8c: {  	s17 =	sshll.u32 s0, $0xA;
	s2 =	sadd.s32 s3, s2  }
0x8d: {  	s2 =	sadd.s32 s2, s17  }
0x8e: {  	[smem:$0x3FC6] =	sst s2  }
0x8f: {  	_ = 	snop  }
0x90: {  	s2 =	sld [smem:$0x3FC8]  }
0x91: {  	s18 =	sld [smem:$0x3FD0];
	(tm) =	ssettm $0x1  }
0x92: {  	s4 =	sld [smem:$0x3FFB];
	_ =	sdelay $0x3  }
0x93: {  	_ =	strace s4  }
0x94: {  	s4 =	sld [smem:$0x3FFC];
	_ =	sdelay $0x3  }
0x95: {  	_ =	strace s4  }
0x96: {  	s4 =	sld [smem:$0x3FFD];
	_ =	sdelay $0x3  }
0x97: {  	_ =	strace s4  }
0x98: {  	_ =	strace $0x8FFFFFFF  }
0x99: {  	s19 =	sld [smem:$0x3FDB];
	_ =	sdelay $0x1  }
0x9a: {  	s5 =	simm.s32 $_scs_section_size  }
0x9b: {  	s6 =	simm.s32 $_size__tile_overlayer_lowered;
	s7 =	simm.s32 $_tile_overlayer_lowered  }
0x9c: {  	s22 =	simm.s32 $0x1BFF;
	s21 =	sshll.u32 s7, $0x1;
	s4 =	sadd.s32 s5, s19  }
0x9d: {  	s8 =	simm.s32 $0x0;
	s20 =	sshll.u32 s6, $0x1;
	s6 =	sadd.s32 s21, s4  }
0x9e: {  	[timem:s8], [sflag:s22] =	dma.local [hbm:s6], s20  }
0x9f: {  	_ =	swait.ge [sflag:s22], s20  }
0xa0: {  	s5 =	ssub.s32 $0x0, s20;
	[sflag:s22] =	ssyncset.done $0x0  }
0xa1: {  	[sflag:s22] =	ssyncadd.s32 s5;
	_ =	sdelay $0x1  }
0xa2: {  	s23 =	simm.s32 $0x1B8B  }
0xa3: {  	_ =	swait.ge [sflag:s23], $0x1  }
0xa4: {  	[sflag:s23] =	ssyncset.done $0x0  }
0xa5: {  	s25 =	simm.s32 $0x1B8E;
	s24 =	sld [smem:$0x3FFE];
	[sflag:s23] =	ssyncadd.s32 $0xFFFFFFFF  }
0xa6: {  	s26 =	simm.s32 $execute0_lowered;
	[smem:$0x3FD2] =	sst s25  }
0xa7: {  	s6 =	sshll.u32 s26, $0x1;
	_ =	strace $0x80000046;
	[dreg:$0x1] =	wrdreg $0xFFFFFFFF  }
0xa8: {  	s28 =	simm.s32 $_size_execute0_lowered;
	s4 =	sadd.s32 s4, s6;
	[dreg:$0x0] =	wrdreg $0x0  }
0xa9: {  	s6 =	sshll.u32 s28, $0x1;
	[dreg:$0x2] =	wrdreg s4  }
0xaa: {  	[dreg:$0x3] =	wrdreg s6  }
0xab: {  	[dreg:$0x4] =	wrdreg $0xC0  }
0xac: {  	_ =	task [dreg:s8], $0x5FFFF  }
0xad: {  	[dreg:$0x1] =	wrdreg $0xFFFFFFFF  }
0xae: {  	[dreg:$0x0] =	wrdreg $0x60  }
0xaf: {  	[dreg:$0x2] =	wrdreg s24  }
0xb0: {  	[dreg:$0x3] =	wrdreg s2  }
0xb1: {  	[dreg:$0x4] =	wrdreg s18  }
0xb2: {  	[dreg:$0x5] =	wrdreg $0x9  }
0xb3: {  	_ =	task.clear_ibuf [dreg:s8], $0x6FFFF;
	_ =	strace $0x90000046  }
0xb4: {  	s29 =	simm.s32 $0x9;
	_ =	strace $0x80000048  }
0xb5: {  	_ =	swait.ge [sflag:s29], $0x1  }
0xb6: {  	[sflag:s29] =	ssyncadd.s32 $0xFFFFFFFF  }
0xb7: {  	_ =	strace $0x90000048  }
0xb8: {  	_ =	sfence  }
0xb9: {  	s30 =	sld [smem:$0x0];
	_ =	sdelay $0x2  }
0xba: {  	s31 =	sshll.u32 s1, $0xD;
	s1 =	sshrl.u32 s1, $0x2  }
0xbb: {  	s3 =	sand.u32 $0x4000, s31;
	s1 =	sadd.s32 s1, s30  }
0xbc: {  	s0 =	sor.u32 s3, s0;
	s1 =	sshll.u32 s1, $0x11  }
0xbd: {  	s0 =	sor.u32 s1, s0  }
0xbe: {  	s0 =	sadd.s32 $0x8F2B, s0  }
0xbf: {  	[sflag:s0] =	ssyncadd.remote.s32 $0x1  }
0xc0: {  	_ =	sfence.sel $0xFFFF  }
0xc1: {  	[dreg:$0x0] =	wrdreg $0xFFFFFFFF;
	(pc) =	sbr.abs _section_cstart, $3  }
0xc2: {  	[dreg:$0x1] =	wrdreg $0xFFFFFFFF  }
0xc3: {  	_ =	task.clear_ibuf [dreg:s8], $0x2FFFF;
	_ =	strace $0x9FFFFFFF  }
0xc4: {  	(tm) =	ssettm $0x7FFFFFFF  }
0xc5: {  	_ =	shalt  }
tec
execute0_lowered:
.L_overlay_start_1:
0x0: {  	(tag) =	ssettag $0x1  }
0x1: {  	s0 =	rddreg [dreg:$0x0]  }
0x2: {  	s1 =	srdreg.scid;
	s3 =	stileid.u32  }
0x3: {  	s2 =	rddreg [dreg:$0x1];
	s18 =	simm.s32 $0x7;
	s19 =	simm.s32 $0x80  }
0x4: {  	s28 =	simm.s32 $0x2;
	s1 =	sand.u32 $0x1, s1;
	s4 =	sshll.u32 s3, $0x1  }
0x5: {  	s30 =	simm.s32 $0x11900;
	s31 =	simm.s32 $0x3;
	s6 =	sor.u32 s1, s4  }
0x6: {  	s29 =	simm.s32 $0x6;
	s3 =	rddreg [dreg:$0x2];
	s5 =	smul.u32 $0x1900, s6  }
0x7: {  	s4 =	simm.s32 $0x0;
	s1 =	ssub.s32 $0x2, s1;
	s7 =	smul.u32 $0x19000, s6  }
0x8: {  	[smem:$0x7FF] =	sst s4;
	s9 =	smul.u32 $0xC8000, s6;
	s20 =	sshrl.u32 s1, $0x1  }
0x9: {  	_ =	strace $0x80000047;
	s1 =	ssub.s32 s1, s20;
	s20 =	simm.s32 $0x1900  }
0xa: {  	s8 =	sshrl.u32 s5, $0x3;
	s6 =	sadd.s32 s3, s7;
	s21 =	sshrl.u32 s9, $0x3  }
0xb: {  	s10 =	sor.u32 $0x80, s5;
	s11 =	sadd.s32 $0x100, s5;
	s17 =	smax.u32 s1, $0x1  }
0xc: {  	s1 =	simm.s32 $0x0;
	s0 =	sadd.s32 s8, s0;
	s22 =	sadd.s32 $0x800, s6  }
0xd: {  	s23 =	sadd.s32 s3, s21;
	s0 =	sadd.s32 $0x400, s0;
	[dreg:$0x5] =	wrdreg s22  }
0xe: {  	s21 =	simm.s32 $0x5900;
	s7 =	sadd.s32 $0x1000, s23;
	[dreg:$0x4] =	wrdreg s0  }
0xf: {  	s24 =	sadd.s32 $0x16800, s23;
	s25 =	sadd.s32 $0x17000, s23;
	[dreg:$0x6] =	wrdreg s7  }
0x10: {  	s26 =	sadd.s32 $0x17800, s23;
	s15 =	sadd.s32 $0x18000, s23;
	[dreg:$0x7] =	wrdreg s24  }
0x11: {  	s16 =	sadd.s32 $0x18800, s23;
	s23 =	simm.s32 $0x9900;
	[dreg:$0x8] =	wrdreg s25  }
0x12: {  	s22 =	simm.s32 $0x4;
	[dreg:$0x9] =	wrdreg s26;
	s24 =	simm.s32 $0x1  }
0x13: {  	s26 =	simm.s32 $0xD900;
	s0 =	simm.s32 $0x15900;
	s25 =	simm.s32 $0x5  }
.LBB2_1:
0x14: {  	s7 =	rddreg [dreg:$0x4]  }
0x15: {  	[tilespmem:s4], [sflag:$0x7] =	stream.linear.gather [hbm4b:s7+s4], $0x1900, $0x38;
	[tilespmem:$0x19900] =	vst v63  }
0x16: {  	_ =	swait.ge [sflag:s18], $0x1900  }
0x17: {  	[sflag:s18] =	ssyncset.done $0x0  }
0x18: {  	[sflag:s18] =	ssyncadd.s32 $0xFFFFE700  }
0x19: {  	[tilespmem:s20], [sflag:$0x1] =	stream.indirect.gather [hbm4b:s2+s19], $0x80, s4, s19, $0xb8;
	[tilespmem:$0x19900] =	vst v63  }
0x1a: {  	_ = 	snop  }
0x1b: {  	[tilespmem:s21], [sflag:$0x2] =	stream.indirect.gather [hbm4b:s2+s19], $0x80, s19, s19, $0xb8;
	[tilespmem:$0x19900] =	vst v63  }
0x1c: {  	s14 =	simm.s32 $0x100  }
0x1d: {  	[tilespmem:s23], [sflag:$0x3] =	stream.indirect.gather [hbm4b:s2+s19], $0x80, s14, s19, $0xb8;
	[tilespmem:$0x19900] =	vst v63  }
0x1e: {  	_ =	swait.ge [sflag:s24], $0x4000  }
0x1f: {  	[sflag:s24] =	ssyncset.done $0x0  }
0x20: {  	s8 =	simm.s32 $0x0;
	[sflag:s24] =	ssyncadd.s32 $0xFFFFC000  }
0x21: {  	v1 =	vld [tilespmem:s8+$0x1970]  }
0x22: {  	v5 =	vld [tilespmem:s8+$0x1900]  }
0x23: {  	v6 =	vld [tilespmem:s8+$0x1910]  }
0x24: {  	v4 =	vld [tilespmem:s8+$0x1920]  }
0x25: {  	v3 =	vld [tilespmem:s8+$0x1930]  }
0x26: {  	v0 =	vld [tilespmem:s8+$0x1940];
	v7 =	vmul.f32 $1.131370830e+01, v1  }
0x27: {  	v1 =	vld [tilespmem:s8+$0x1950];
	v5 =	vmul.f32 $1.131370830e+01, v5  }
0x28: {  	s9 =	simm.s32 $0x400;
	s7 =	simm.s32 $0x80;
	v2 =	vld [tilespmem:s8+$0x1960];
	v6 =	vmul.f32 $1.131370830e+01, v6;
	[tilespmem:s8+$0xD970] =	vst v7  }
.LBB2_2:
0x29: {  	p0 =	sne.s32 s9, $0xFE00;
	v7 =	vld [tilespmem:s7+$0x1970];
	[tilespmem:s8+$0xD900] =	vst v5;
	v4 =	vmul.f32 $1.131370830e+01, v4  }
0x2a: {  	v5 =	vld [tilespmem:s7+$0x1900];
	[tilespmem:s8+$0xD910] =	vst v6;
	v3 =	vmul.f32 $1.131370830e+01, v3  }
0x2b: {  	v6 =	vld [tilespmem:s7+$0x1910];
	[tilespmem:s8+$0xD920] =	vst v4;
	v0 =	vmul.f32 $1.131370830e+01, v0  }
.Ltmp0:
0x2c: {  	v4 =	vld [tilespmem:s7+$0x1920];
	[tilespmem:s8+$0xD930] =	vst v3;
	v1 =	vmul.f32 $1.131370830e+01, v1;
	(pc) =	sbr.rel @p0 .LBB2_2-.Ltmp0, $4  }
0x2d: {  	v3 =	vld [tilespmem:s7+$0x1930];
	[tilespmem:s8+$0xD940] =	vst v0;
	v2 =	vmul.f32 $1.131370830e+01, v2  }
0x2e: {  	v0 =	vld [tilespmem:s7+$0x1940];
	v7 =	vmul.f32 $1.131370830e+01, v7;
	[tilespmem:s8+$0xD950] =	vst v1  }
0x2f: {  	v5 =	vmul.f32 $1.131370830e+01, v5;
	v1 =	vld [tilespmem:s7+$0x1950];
	[tilespmem:s8+$0xD960] =	vst v2;
	s8 =	smov.u32 s7  }
0x30: {  	s7 =	sshra.s32 s9, $0x2;
	s9 =	sadd.s32 $0x200, s9;
	v6 =	vmul.f32 $1.131370830e+01, v6;
	v2 =	vld [tilespmem:s8+$0x1960];
	[tilespmem:s8+$0xD970] =	vst v7  }
0x31: {  	v7 =	vld [tilespmem:s7+$0x1970];
	[tilespmem:s8+$0xD900] =	vst v5;
	v4 =	vmul.f32 $1.131370830e+01, v4  }
0x32: {  	v5 =	vld [tilespmem:s7+$0x1900];
	[tilespmem:s8+$0xD910] =	vst v6;
	v3 =	vmul.f32 $1.131370830e+01, v3  }
0x33: {  	v6 =	vld [tilespmem:s7+$0x1910];
	[tilespmem:s8+$0xD920] =	vst v4;
	v0 =	vmul.f32 $1.131370830e+01, v0  }
0x34: {  	v4 =	vld [tilespmem:s7+$0x1920];
	[tilespmem:s8+$0xD930] =	vst v3;
	v1 =	vmul.f32 $1.131370830e+01, v1  }
0x35: {  	v3 =	vld [tilespmem:s7+$0x1930];
	[tilespmem:s8+$0xD940] =	vst v0;
	v2 =	vmul.f32 $1.131370830e+01, v2  }
0x36: {  	v0 =	vld [tilespmem:s7+$0x1940];
	[tilespmem:s8+$0xD950] =	vst v1;
	v7 =	vmul.f32 $1.131370830e+01, v7  }
0x37: {  	v1 =	vld [tilespmem:s7+$0x1950];
	[tilespmem:s8+$0xD960] =	vst v2;
	v2 =	vmul.f32 $1.131370830e+01, v5  }
0x38: {  	v5 =	vld [tilespmem:s7+$0x1960];
	v6 =	vmul.f32 $1.131370830e+01, v6;
	[tilespmem:s7+$0xD970] =	vst v7  }
0x39: {  	[tilespmem:s7+$0xD900] =	vst v2;
	v2 =	vmul.f32 $1.131370830e+01, v4  }
0x3a: {  	[tilespmem:s7+$0xD910] =	vst v6;
	v3 =	vmul.f32 $1.131370830e+01, v3  }
0x3b: {  	[tilespmem:s7+$0xD920] =	vst v2;
	v0 =	vmul.f32 $1.131370830e+01, v0  }
0x3c: {  	[tilespmem:s7+$0xD930] =	vst v3;
	v1 =	vmul.f32 $1.131370830e+01, v1  }
0x3d: {  	[tilespmem:s7+$0xD940] =	vst v0;
	v0 =	vmul.f32 $1.131370830e+01, v5  }
0x3e: {  	[tilespmem:s7+$0xD950] =	vst v1  }
0x3f: {  	s13 =	simm.s32 $0x180;
	[tilespmem:s7+$0xD960] =	vst v0  }
0x40: {  	[tilespmem:s20], [sflag:$0x1] =	stream.indirect.gather [hbm4b:s2+s19], $0x80, s13, s19, $0xb8;
	[tilespmem:$0x19900] =	vst v63  }
0x41: {  	s14 =	simm.s32 $0x0  }
0x42: {  	[hbm4b:s6+s14] =	stream.linear.scatter [tilespmem:s26], [sflag:$0x4], $0x4000, $0x38;
	[tilespmem:$0x19900] =	vst v63  }
0x43: {  	_ =	swait.ge [sflag:s28], $0x4000  }
0x44: {  	[sflag:s28] =	ssyncset.done $0x0  }
0x45: {  	s8 =	simm.s32 $0x0;
	[sflag:s28] =	ssyncadd.s32 $0xFFFFC000  }
0x46: {  	v1 =	vld [tilespmem:s8+$0x5970]  }
0x47: {  	v5 =	vld [tilespmem:s8+$0x5900]  }
0x48: {  	v6 =	vld [tilespmem:s8+$0x5910]  }
0x49: {  	v4 =	vld [tilespmem:s8+$0x5920]  }
0x4a: {  	v3 =	vld [tilespmem:s8+$0x5930]  }
0x4b: {  	v0 =	vld [tilespmem:s8+$0x5940];
	v7 =	vmul.f32 $1.131370830e+01, v1  }
0x4c: {  	v1 =	vld [tilespmem:s8+$0x5950];
	v5 =	vmul.f32 $1.131370830e+01, v5  }
0x4d: {  	s9 =	simm.s32 $0x400;
	s7 =	simm.s32 $0x80;
	v2 =	vld [tilespmem:s8+$0x5960];
	v6 =	vmul.f32 $1.131370830e+01, v6;
	[tilespmem:s8+$0x11970] =	vst v7  }
.LBB2_4:
0x4e: {  	p0 =	sne.s32 s9, $0xFE00;
	v7 =	vld [tilespmem:s7+$0x5970];
	[tilespmem:s8+$0x11900] =	vst v5;
	v4 =	vmul.f32 $1.131370830e+01, v4  }
0x4f: {  	v5 =	vld [tilespmem:s7+$0x5900];
	[tilespmem:s8+$0x11910] =	vst v6;
	v3 =	vmul.f32 $1.131370830e+01, v3  }
0x50: {  	v6 =	vld [tilespmem:s7+$0x5910];
	[tilespmem:s8+$0x11920] =	vst v4;
	v0 =	vmul.f32 $1.131370830e+01, v0  }
.Ltmp1:
0x51: {  	v4 =	vld [tilespmem:s7+$0x5920];
	[tilespmem:s8+$0x11930] =	vst v3;
	v1 =	vmul.f32 $1.131370830e+01, v1;
	(pc) =	sbr.rel @p0 .LBB2_4-.Ltmp1, $4  }
0x52: {  	v3 =	vld [tilespmem:s7+$0x5930];
	[tilespmem:s8+$0x11940] =	vst v0;
	v2 =	vmul.f32 $1.131370830e+01, v2  }
0x53: {  	v0 =	vld [tilespmem:s7+$0x5940];
	v7 =	vmul.f32 $1.131370830e+01, v7;
	[tilespmem:s8+$0x11950] =	vst v1  }
0x54: {  	v5 =	vmul.f32 $1.131370830e+01, v5;
	v1 =	vld [tilespmem:s7+$0x5950];
	[tilespmem:s8+$0x11960] =	vst v2;
	s8 =	smov.u32 s7  }
0x55: {  	s7 =	sshra.s32 s9, $0x2;
	s9 =	sadd.s32 $0x200, s9;
	v6 =	vmul.f32 $1.131370830e+01, v6;
	v2 =	vld [tilespmem:s8+$0x5960];
	[tilespmem:s8+$0x11970] =	vst v7  }
0x56: {  	v7 =	vld [tilespmem:s7+$0x5970];
	[tilespmem:s8+$0x11900] =	vst v5;
	v4 =	vmul.f32 $1.131370830e+01, v4  }
0x57: {  	v5 =	vld [tilespmem:s7+$0x5900];
	[tilespmem:s8+$0x11910] =	vst v6;
	v3 =	vmul.f32 $1.131370830e+01, v3  }
0x58: {  	v6 =	vld [tilespmem:s7+$0x5910];
	[tilespmem:s8+$0x11920] =	vst v4;
	v0 =	vmul.f32 $1.131370830e+01, v0  }
0x59: {  	v4 =	vld [tilespmem:s7+$0x5920];
	[tilespmem:s8+$0x11930] =	vst v3;
	v1 =	vmul.f32 $1.131370830e+01, v1  }
0x5a: {  	v3 =	vld [tilespmem:s7+$0x5930];
	[tilespmem:s8+$0x11940] =	vst v0;
	v2 =	vmul.f32 $1.131370830e+01, v2  }
0x5b: {  	v0 =	vld [tilespmem:s7+$0x5940];
	[tilespmem:s8+$0x11950] =	vst v1;
	v7 =	vmul.f32 $1.131370830e+01, v7  }
0x5c: {  	v1 =	vld [tilespmem:s7+$0x5950];
	[tilespmem:s8+$0x11960] =	vst v2;
	v2 =	vmul.f32 $1.131370830e+01, v5  }
0x5d: {  	v5 =	vld [tilespmem:s7+$0x5960];
	v6 =	vmul.f32 $1.131370830e+01, v6;
	[tilespmem:s7+$0x11970] =	vst v7  }
0x5e: {  	[tilespmem:s7+$0x11900] =	vst v2;
	v2 =	vmul.f32 $1.131370830e+01, v4  }
0x5f: {  	[tilespmem:s7+$0x11910] =	vst v6;
	v3 =	vmul.f32 $1.131370830e+01, v3  }
0x60: {  	[tilespmem:s7+$0x11920] =	vst v2;
	v0 =	vmul.f32 $1.131370830e+01, v0  }
0x61: {  	[tilespmem:s7+$0x11930] =	vst v3;
	v1 =	vmul.f32 $1.131370830e+01, v1  }
0x62: {  	[tilespmem:s7+$0x11940] =	vst v0;
	v0 =	vmul.f32 $1.131370830e+01, v5  }
0x63: {  	[tilespmem:s7+$0x11950] =	vst v1  }
0x64: {  	s12 =	simm.s32 $0x200;
	[tilespmem:s7+$0x11960] =	vst v0  }
0x65: {  	[tilespmem:s21], [sflag:$0x2] =	stream.indirect.gather [hbm4b:s2+s19], $0x80, s12, s19, $0xb8;
	[tilespmem:$0x19900] =	vst v63  }
0x66: {  	s13 =	simm.s32 $0x0;
	s14 =	rddreg [dreg:$0x5]  }
0x67: {  	[hbm4b:s14+s13] =	stream.linear.scatter [tilespmem:s30], [sflag:$0x5], $0x4000, $0x38;
	[tilespmem:$0x19900] =	vst v63  }
0x68: {  	_ =	swait.ge [sflag:s31], $0x4000  }
0x69: {  	[sflag:s31] =	ssyncset.done $0x0  }
0x6a: {  	s8 =	simm.s32 $0x0;
	[sflag:s31] =	ssyncadd.s32 $0xFFFFC000  }
0x6b: {  	v1 =	vld [tilespmem:s8+$0x9970]  }
0x6c: {  	v5 =	vld [tilespmem:s8+$0x9900]  }
0x6d: {  	v6 =	vld [tilespmem:s8+$0x9910]  }
0x6e: {  	v4 =	vld [tilespmem:s8+$0x9920]  }
0x6f: {  	v3 =	vld [tilespmem:s8+$0x9930]  }
0x70: {  	v0 =	vld [tilespmem:s8+$0x9940];
	v7 =	vmul.f32 $1.131370830e+01, v1  }
0x71: {  	v1 =	vld [tilespmem:s8+$0x9950];
	v5 =	vmul.f32 $1.131370830e+01, v5  }
0x72: {  	s9 =	simm.s32 $0x400;
	s7 =	simm.s32 $0x80;
	v2 =	vld [tilespmem:s8+$0x9960];
	v6 =	vmul.f32 $1.131370830e+01, v6;
	[tilespmem:s8+$0x15970] =	vst v7  }
.LBB2_6:
0x73: {  	p0 =	sne.s32 s9, $0xFE00;
	v7 =	vld [tilespmem:s7+$0x9970];
	[tilespmem:s8+$0x15900] =	vst v5;
	v4 =	vmul.f32 $1.131370830e+01, v4  }
0x74: {  	v5 =	vld [tilespmem:s7+$0x9900];
	[tilespmem:s8+$0x15910] =	vst v6;
	v3 =	vmul.f32 $1.131370830e+01, v3  }
0x75: {  	v6 =	vld [tilespmem:s7+$0x9910];
	[tilespmem:s8+$0x15920] =	vst v4;
	v0 =	vmul.f32 $1.131370830e+01, v0  }
.Ltmp2:
0x76: {  	v4 =	vld [tilespmem:s7+$0x9920];
	[tilespmem:s8+$0x15930] =	vst v3;
	v1 =	vmul.f32 $1.131370830e+01, v1;
	(pc) =	sbr.rel @p0 .LBB2_6-.Ltmp2, $4  }
0x77: {  	v3 =	vld [tilespmem:s7+$0x9930];
	[tilespmem:s8+$0x15940] =	vst v0;
	v2 =	vmul.f32 $1.131370830e+01, v2  }
0x78: {  	v0 =	vld [tilespmem:s7+$0x9940];
	v7 =	vmul.f32 $1.131370830e+01, v7;
	[tilespmem:s8+$0x15950] =	vst v1  }
0x79: {  	v5 =	vmul.f32 $1.131370830e+01, v5;
	v1 =	vld [tilespmem:s7+$0x9950];
	[tilespmem:s8+$0x15960] =	vst v2;
	s8 =	smov.u32 s7  }
0x7a: {  	s7 =	sshra.s32 s9, $0x2;
	s9 =	sadd.s32 $0x200, s9;
	v6 =	vmul.f32 $1.131370830e+01, v6;
	v2 =	vld [tilespmem:s8+$0x9960];
	[tilespmem:s8+$0x15970] =	vst v7  }
0x7b: {  	v7 =	vld [tilespmem:s7+$0x9970];
	[tilespmem:s8+$0x15900] =	vst v5;
	v4 =	vmul.f32 $1.131370830e+01, v4  }
0x7c: {  	v5 =	vld [tilespmem:s7+$0x9900];
	[tilespmem:s8+$0x15910] =	vst v6;
	v3 =	vmul.f32 $1.131370830e+01, v3  }
0x7d: {  	v6 =	vld [tilespmem:s7+$0x9910];
	[tilespmem:s8+$0x15920] =	vst v4;
	v0 =	vmul.f32 $1.131370830e+01, v0  }
0x7e: {  	v4 =	vld [tilespmem:s7+$0x9920];
	[tilespmem:s8+$0x15930] =	vst v3;
	v1 =	vmul.f32 $1.131370830e+01, v1  }
0x7f: {  	v3 =	vld [tilespmem:s7+$0x9930];
	[tilespmem:s8+$0x15940] =	vst v0;
	v2 =	vmul.f32 $1.131370830e+01, v2  }
0x80: {  	v0 =	vld [tilespmem:s7+$0x9940];
	[tilespmem:s8+$0x15950] =	vst v1;
	v7 =	vmul.f32 $1.131370830e+01, v7  }
0x81: {  	v1 =	vld [tilespmem:s7+$0x9950];
	[tilespmem:s8+$0x15960] =	vst v2;
	v60 =	vmul.f32 $1.131370830e+01, v5  }
0x82: {  	v61 =	vld [tilespmem:s7+$0x9960];
	v6 =	vmul.f32 $1.131370830e+01, v6;
	[tilespmem:s7+$0x15970] =	vst v7  }
0x83: {  	[tilespmem:s7+$0x15900] =	vst v60;
	v62 =	vmul.f32 $1.131370830e+01, v4  }
0x84: {  	[tilespmem:s7+$0x15910] =	vst v6;
	v3 =	vmul.f32 $1.131370830e+01, v3  }
0x85: {  	[tilespmem:s7+$0x15920] =	vst v62;
	v0 =	vmul.f32 $1.131370830e+01, v0  }
0x86: {  	[tilespmem:s7+$0x15930] =	vst v3;
	v1 =	vmul.f32 $1.131370830e+01, v1  }
0x87: {  	[tilespmem:s7+$0x15940] =	vst v0;
	v63 =	vmul.f32 $1.131370830e+01, v61  }
0x88: {  	[tilespmem:s7+$0x15950] =	vst v1  }
0x89: {  	s13 =	simm.s32 $0x280;
	[tilespmem:s7+$0x15960] =	vst v63  }
0x8a: {  	[tilespmem:s23], [sflag:$0x3] =	stream.indirect.gather [hbm4b:s2+s19], $0x80, s13, s19, $0xb8;
	[tilespmem:$0x19900] =	vst v63  }
0x8b: {  	s14 =	rddreg [dreg:$0x6];
	s7 =	simm.s32 $0x1  }
0x8c: {  	[hbm4b:s14+s4] =	stream.linear.scatter [tilespmem:s0], [sflag:$0x6], $0x4000, $0x38;
	[tilespmem:$0x19900] =	vst v63  }
.LBB2_8:
0x8d: {  	_ =	swait.ge [sflag:s24], $0x4000  }
0x8e: {  	[sflag:s24] =	ssyncset.done $0x0  }
0x8f: {  	[sflag:s24] =	ssyncadd.s32 $0xFFFFC000  }
0x90: {  	_ =	swait.ge [sflag:s22], $0x4000  }
0x91: {  	[sflag:s22] =	ssyncset.done $0x0  }
0x92: {  	s8 =	simm.s32 $0x0;
	[sflag:s22] =	ssyncadd.s32 $0xFFFFC000  }
0x93: {  	v1 =	vld [tilespmem:s8+$0x1970]  }
0x94: {  	v5 =	vld [tilespmem:s8+$0x1900]  }
0x95: {  	v6 =	vld [tilespmem:s8+$0x1910]  }
0x96: {  	v4 =	vld [tilespmem:s8+$0x1920]  }
0x97: {  	v3 =	vld [tilespmem:s8+$0x1930]  }
0x98: {  	v0 =	vld [tilespmem:s8+$0x1940];
	v7 =	vmul.f32 $1.131370830e+01, v1  }
0x99: {  	v1 =	vld [tilespmem:s8+$0x1950];
	v5 =	vmul.f32 $1.131370830e+01, v5  }
0x9a: {  	s9 =	simm.s32 $0x80;
	s12 =	simm.s32 $0x400;
	v2 =	vld [tilespmem:s8+$0x1960];
	v6 =	vmul.f32 $1.131370830e+01, v6;
	[tilespmem:s8+$0xD970] =	vst v7  }
.LBB2_9:
0x9b: {  	p0 =	sne.s32 s12, $0xFE00;
	v7 =	vld [tilespmem:s9+$0x1970];
	[tilespmem:s8+$0xD900] =	vst v5;
	v4 =	vmul.f32 $1.131370830e+01, v4  }
0x9c: {  	v5 =	vld [tilespmem:s9+$0x1900];
	[tilespmem:s8+$0xD910] =	vst v6;
	v3 =	vmul.f32 $1.131370830e+01, v3  }
0x9d: {  	v6 =	vld [tilespmem:s9+$0x1910];
	[tilespmem:s8+$0xD920] =	vst v4;
	v0 =	vmul.f32 $1.131370830e+01, v0  }
.Ltmp3:
0x9e: {  	v4 =	vld [tilespmem:s9+$0x1920];
	[tilespmem:s8+$0xD930] =	vst v3;
	v1 =	vmul.f32 $1.131370830e+01, v1;
	(pc) =	sbr.rel @p0 .LBB2_9-.Ltmp3, $4  }
0x9f: {  	v3 =	vld [tilespmem:s9+$0x1930];
	[tilespmem:s8+$0xD940] =	vst v0;
	v2 =	vmul.f32 $1.131370830e+01, v2  }
0xa0: {  	v0 =	vld [tilespmem:s9+$0x1940];
	v7 =	vmul.f32 $1.131370830e+01, v7;
	[tilespmem:s8+$0xD950] =	vst v1  }
0xa1: {  	v5 =	vmul.f32 $1.131370830e+01, v5;
	v1 =	vld [tilespmem:s9+$0x1950];
	[tilespmem:s8+$0xD960] =	vst v2;
	s8 =	smov.u32 s9  }
0xa2: {  	s9 =	sshra.s32 s12, $0x2;
	s12 =	sadd.s32 $0x200, s12;
	v6 =	vmul.f32 $1.131370830e+01, v6;
	v2 =	vld [tilespmem:s8+$0x1960];
	[tilespmem:s8+$0xD970] =	vst v7  }
0xa3: {  	v7 =	vld [tilespmem:s9+$0x1970];
	[tilespmem:s8+$0xD900] =	vst v5;
	v4 =	vmul.f32 $1.131370830e+01, v4  }
0xa4: {  	v5 =	vld [tilespmem:s9+$0x1900];
	[tilespmem:s8+$0xD910] =	vst v6;
	v3 =	vmul.f32 $1.131370830e+01, v3  }
0xa5: {  	v6 =	vld [tilespmem:s9+$0x1910];
	[tilespmem:s8+$0xD920] =	vst v4;
	v0 =	vmul.f32 $1.131370830e+01, v0  }
0xa6: {  	v4 =	vld [tilespmem:s9+$0x1920];
	[tilespmem:s8+$0xD930] =	vst v3;
	v1 =	vmul.f32 $1.131370830e+01, v1  }
0xa7: {  	v3 =	vld [tilespmem:s9+$0x1930];
	[tilespmem:s8+$0xD940] =	vst v0;
	v2 =	vmul.f32 $1.131370830e+01, v2  }
0xa8: {  	v0 =	vld [tilespmem:s9+$0x1940];
	[tilespmem:s8+$0xD950] =	vst v1;
	v7 =	vmul.f32 $1.131370830e+01, v7  }
0xa9: {  	v1 =	vld [tilespmem:s9+$0x1950];
	[tilespmem:s8+$0xD960] =	vst v2;
	v2 =	vmul.f32 $1.131370830e+01, v5  }
0xaa: {  	v5 =	vld [tilespmem:s9+$0x1960];
	v6 =	vmul.f32 $1.131370830e+01, v6;
	[tilespmem:s9+$0xD970] =	vst v7  }
0xab: {  	[tilespmem:s9+$0xD900] =	vst v2;
	v2 =	vmul.f32 $1.131370830e+01, v4  }
0xac: {  	[tilespmem:s9+$0xD910] =	vst v6;
	v3 =	vmul.f32 $1.131370830e+01, v3  }
0xad: {  	[tilespmem:s9+$0xD920] =	vst v2;
	v0 =	vmul.f32 $1.131370830e+01, v0  }
0xae: {  	s13 =	smul.u32 $0x600, s7;
	[tilespmem:s9+$0xD930] =	vst v3;
	v1 =	vmul.f32 $1.131370830e+01, v1  }
0xaf: {  	[tilespmem:s9+$0xD940] =	vst v0;
	v0 =	vmul.f32 $1.131370830e+01, v5  }
0xb0: {  	s8 =	sshra.s32 s13, $0x2;
	[tilespmem:s9+$0xD950] =	vst v1  }
0xb1: {  	s12 =	sadd.s32 $0x180, s8;
	[tilespmem:s9+$0xD960] =	vst v0;
	s9 =	smul.u32 $0x180, s7  }
0xb2: {  	[tilespmem:s20], [sflag:$0x1] =	stream.indirect.gather [hbm4b:s2+s19], $0x80, s12, s19, $0xb8;
	[tilespmem:$0x19900] =	vst v63  }
0xb3: {  	s14 =	sadd.s32 s5, s9  }
0xb4: {  	s12 =	sshll.u32 s14, $0x4  }
0xb5: {  	s13 =	simm.s32 $0x0;
	s12 =	sadd.s32 s3, s12  }
0xb6: {  	[hbm4b:s12+s13] =	stream.linear.scatter [tilespmem:s26], [sflag:$0x4], $0x4000, $0x38;
	[tilespmem:$0x19900] =	vst v63  }
0xb7: {  	_ =	swait.ge [sflag:s28], $0x4000  }
0xb8: {  	[sflag:s28] =	ssyncset.done $0x0  }
0xb9: {  	[sflag:s28] =	ssyncadd.s32 $0xFFFFC000  }
0xba: {  	_ =	swait.ge [sflag:s25], $0x4000  }
0xbb: {  	[sflag:s25] =	ssyncset.done $0x0  }
0xbc: {  	s13 =	simm.s32 $0x0;
	[sflag:s25] =	ssyncadd.s32 $0xFFFFC000  }
0xbd: {  	v1 =	vld [tilespmem:s13+$0x5970]  }
0xbe: {  	v5 =	vld [tilespmem:s13+$0x5900]  }
0xbf: {  	v6 =	vld [tilespmem:s13+$0x5910]  }
0xc0: {  	v4 =	vld [tilespmem:s13+$0x5920]  }
0xc1: {  	v3 =	vld [tilespmem:s13+$0x5930]  }
0xc2: {  	v0 =	vld [tilespmem:s13+$0x5940];
	v7 =	vmul.f32 $1.131370830e+01, v1  }
0xc3: {  	v1 =	vld [tilespmem:s13+$0x5950];
	v5 =	vmul.f32 $1.131370830e+01, v5  }
0xc4: {  	s14 =	simm.s32 $0x400;
	s12 =	simm.s32 $0x80;
	v2 =	vld [tilespmem:s13+$0x5960];
	v6 =	vmul.f32 $1.131370830e+01, v6;
	[tilespmem:s13+$0x11970] =	vst v7  }
.LBB2_11:
0xc5: {  	p0 =	sne.s32 s14, $0xFE00;
	v7 =	vld [tilespmem:s12+$0x5970];
	[tilespmem:s13+$0x11900] =	vst v5;
	v4 =	vmul.f32 $1.131370830e+01, v4  }
0xc6: {  	v5 =	vld [tilespmem:s12+$0x5900];
	[tilespmem:s13+$0x11910] =	vst v6;
	v3 =	vmul.f32 $1.131370830e+01, v3  }
0xc7: {  	v6 =	vld [tilespmem:s12+$0x5910];
	[tilespmem:s13+$0x11920] =	vst v4;
	v0 =	vmul.f32 $1.131370830e+01, v0  }
.Ltmp4:
0xc8: {  	v4 =	vld [tilespmem:s12+$0x5920];
	[tilespmem:s13+$0x11930] =	vst v3;
	v1 =	vmul.f32 $1.131370830e+01, v1;
	(pc) =	sbr.rel @p0 .LBB2_11-.Ltmp4, $4  }
0xc9: {  	v3 =	vld [tilespmem:s12+$0x5930];
	[tilespmem:s13+$0x11940] =	vst v0;
	v2 =	vmul.f32 $1.131370830e+01, v2  }
0xca: {  	v0 =	vld [tilespmem:s12+$0x5940];
	v7 =	vmul.f32 $1.131370830e+01, v7;
	[tilespmem:s13+$0x11950] =	vst v1  }
0xcb: {  	v5 =	vmul.f32 $1.131370830e+01, v5;
	v1 =	vld [tilespmem:s12+$0x5950];
	[tilespmem:s13+$0x11960] =	vst v2;
	s13 =	smov.u32 s12  }
0xcc: {  	s12 =	sshra.s32 s14, $0x2;
	s14 =	sadd.s32 $0x200, s14;
	v6 =	vmul.f32 $1.131370830e+01, v6;
	v2 =	vld [tilespmem:s13+$0x5960];
	[tilespmem:s13+$0x11970] =	vst v7  }
0xcd: {  	v7 =	vld [tilespmem:s12+$0x5970];
	[tilespmem:s13+$0x11900] =	vst v5;
	v4 =	vmul.f32 $1.131370830e+01, v4  }
0xce: {  	v5 =	vld [tilespmem:s12+$0x5900];
	[tilespmem:s13+$0x11910] =	vst v6;
	v3 =	vmul.f32 $1.131370830e+01, v3  }
0xcf: {  	v6 =	vld [tilespmem:s12+$0x5910];
	[tilespmem:s13+$0x11920] =	vst v4;
	v0 =	vmul.f32 $1.131370830e+01, v0  }
0xd0: {  	v4 =	vld [tilespmem:s12+$0x5920];
	[tilespmem:s13+$0x11930] =	vst v3;
	v1 =	vmul.f32 $1.131370830e+01, v1  }
0xd1: {  	v3 =	vld [tilespmem:s12+$0x5930];
	[tilespmem:s13+$0x11940] =	vst v0;
	v2 =	vmul.f32 $1.131370830e+01, v2  }
0xd2: {  	v0 =	vld [tilespmem:s12+$0x5940];
	[tilespmem:s13+$0x11950] =	vst v1;
	v7 =	vmul.f32 $1.131370830e+01, v7  }
0xd3: {  	v1 =	vld [tilespmem:s12+$0x5950];
	[tilespmem:s13+$0x11960] =	vst v2;
	v2 =	vmul.f32 $1.131370830e+01, v5  }
0xd4: {  	v5 =	vld [tilespmem:s12+$0x5960];
	v6 =	vmul.f32 $1.131370830e+01, v6;
	[tilespmem:s12+$0x11970] =	vst v7  }
0xd5: {  	[tilespmem:s12+$0x11900] =	vst v2;
	v2 =	vmul.f32 $1.131370830e+01, v4  }
0xd6: {  	[tilespmem:s12+$0x11910] =	vst v6;
	v3 =	vmul.f32 $1.131370830e+01, v3  }
0xd7: {  	[tilespmem:s12+$0x11920] =	vst v2;
	v0 =	vmul.f32 $1.131370830e+01, v0  }
0xd8: {  	[tilespmem:s12+$0x11930] =	vst v3;
	v1 =	vmul.f32 $1.131370830e+01, v1  }
0xd9: {  	[tilespmem:s12+$0x11940] =	vst v0;
	v0 =	vmul.f32 $1.131370830e+01, v5  }
0xda: {  	s13 =	sadd.s32 s9, s10;
	[tilespmem:s12+$0x11950] =	vst v1  }
0xdb: {  	s14 =	sadd.s32 $0x200, s8;
	[tilespmem:s12+$0x11960] =	vst v0;
	s12 =	sshll.u32 s13, $0x4  }
0xdc: {  	[tilespmem:s21], [sflag:$0x2] =	stream.indirect.gather [hbm4b:s2+s19], $0x80, s14, s19, $0xb8;
	[tilespmem:$0x19900] =	vst v63  }
0xdd: {  	s12 =	sadd.s32 s3, s12;
	s14 =	simm.s32 $0x0  }
0xde: {  	[hbm4b:s12+s14] =	stream.linear.scatter [tilespmem:s30], [sflag:$0x5], $0x4000, $0x38;
	[tilespmem:$0x19900] =	vst v63  }
0xdf: {  	_ =	swait.ge [sflag:s31], $0x4000  }
0xe0: {  	[sflag:s31] =	ssyncset.done $0x0  }
0xe1: {  	[sflag:s31] =	ssyncadd.s32 $0xFFFFC000  }
0xe2: {  	_ =	swait.ge [sflag:s29], $0x4000  }
0xe3: {  	[sflag:s29] =	ssyncset.done $0x0  }
0xe4: {  	s13 =	simm.s32 $0x0;
	[sflag:s29] =	ssyncadd.s32 $0xFFFFC000  }
0xe5: {  	v1 =	vld [tilespmem:s13+$0x9970]  }
0xe6: {  	v5 =	vld [tilespmem:s13+$0x9900]  }
0xe7: {  	v6 =	vld [tilespmem:s13+$0x9910]  }
0xe8: {  	v4 =	vld [tilespmem:s13+$0x9920]  }
0xe9: {  	v3 =	vld [tilespmem:s13+$0x9930]  }
0xea: {  	v0 =	vld [tilespmem:s13+$0x9940];
	v7 =	vmul.f32 $1.131370830e+01, v1  }
0xeb: {  	v1 =	vld [tilespmem:s13+$0x9950];
	v5 =	vmul.f32 $1.131370830e+01, v5  }
0xec: {  	s12 =	simm.s32 $0x80;
	s14 =	simm.s32 $0x400;
	v2 =	vld [tilespmem:s13+$0x9960];
	v6 =	vmul.f32 $1.131370830e+01, v6;
	[tilespmem:s13+$0x15970] =	vst v7  }
.LBB2_13:
0xed: {  	p0 =	sne.s32 s14, $0xFE00;
	v7 =	vld [tilespmem:s12+$0x9970];
	[tilespmem:s13+$0x15900] =	vst v5;
	v4 =	vmul.f32 $1.131370830e+01, v4  }
0xee: {  	v5 =	vld [tilespmem:s12+$0x9900];
	[tilespmem:s13+$0x15910] =	vst v6;
	v3 =	vmul.f32 $1.131370830e+01, v3  }
0xef: {  	v6 =	vld [tilespmem:s12+$0x9910];
	[tilespmem:s13+$0x15920] =	vst v4;
	v0 =	vmul.f32 $1.131370830e+01, v0  }
.Ltmp5:
0xf0: {  	v4 =	vld [tilespmem:s12+$0x9920];
	[tilespmem:s13+$0x15930] =	vst v3;
	v1 =	vmul.f32 $1.131370830e+01, v1;
	(pc) =	sbr.rel @p0 .LBB2_13-.Ltmp5, $4  }
0xf1: {  	v3 =	vld [tilespmem:s12+$0x9930];
	[tilespmem:s13+$0x15940] =	vst v0;
	v2 =	vmul.f32 $1.131370830e+01, v2  }
0xf2: {  	v0 =	vld [tilespmem:s12+$0x9940];
	v7 =	vmul.f32 $1.131370830e+01, v7;
	[tilespmem:s13+$0x15950] =	vst v1  }
0xf3: {  	v5 =	vmul.f32 $1.131370830e+01, v5;
	v1 =	vld [tilespmem:s12+$0x9950];
	[tilespmem:s13+$0x15960] =	vst v2;
	s13 =	smov.u32 s12  }
0xf4: {  	s12 =	sshra.s32 s14, $0x2;
	s14 =	sadd.s32 $0x200, s14;
	v6 =	vmul.f32 $1.131370830e+01, v6;
	v2 =	vld [tilespmem:s13+$0x9960];
	[tilespmem:s13+$0x15970] =	vst v7  }
0xf5: {  	v7 =	vld [tilespmem:s12+$0x9970];
	[tilespmem:s13+$0x15900] =	vst v5;
	v4 =	vmul.f32 $1.131370830e+01, v4  }
0xf6: {  	v5 =	vld [tilespmem:s12+$0x9900];
	[tilespmem:s13+$0x15910] =	vst v6;
	v3 =	vmul.f32 $1.131370830e+01, v3  }
0xf7: {  	v6 =	vld [tilespmem:s12+$0x9910];
	[tilespmem:s13+$0x15920] =	vst v4;
	v0 =	vmul.f32 $1.131370830e+01, v0  }
0xf8: {  	v4 =	vld [tilespmem:s12+$0x9920];
	[tilespmem:s13+$0x15930] =	vst v3;
	v1 =	vmul.f32 $1.131370830e+01, v1  }
0xf9: {  	v3 =	vld [tilespmem:s12+$0x9930];
	[tilespmem:s13+$0x15940] =	vst v0;
	v2 =	vmul.f32 $1.131370830e+01, v2  }
0xfa: {  	v0 =	vld [tilespmem:s12+$0x9940];
	[tilespmem:s13+$0x15950] =	vst v1;
	v7 =	vmul.f32 $1.131370830e+01, v7  }
0xfb: {  	v1 =	vld [tilespmem:s12+$0x9950];
	[tilespmem:s13+$0x15960] =	vst v2;
	v60 =	vmul.f32 $1.131370830e+01, v5  }
0xfc: {  	v61 =	vld [tilespmem:s12+$0x9960];
	v6 =	vmul.f32 $1.131370830e+01, v6;
	[tilespmem:s12+$0x15970] =	vst v7  }
0xfd: {  	[tilespmem:s12+$0x15900] =	vst v60;
	v62 =	vmul.f32 $1.131370830e+01, v4  }
0xfe: {  	[tilespmem:s12+$0x15910] =	vst v6;
	v3 =	vmul.f32 $1.131370830e+01, v3  }
0xff: {  	[tilespmem:s12+$0x15920] =	vst v62;
	v0 =	vmul.f32 $1.131370830e+01, v0  }
0x100: {  	[tilespmem:s12+$0x15930] =	vst v3;
	v1 =	vmul.f32 $1.131370830e+01, v1  }
0x101: {  	s7 =	sadd.s32 $0x1, s7;
	[tilespmem:s12+$0x15940] =	vst v0;
	v63 =	vmul.f32 $1.131370830e+01, v61  }
0x102: {  	p0 =	sne.s32 s7, $0xF;
	[tilespmem:s12+$0x15950] =	vst v1  }
.Ltmp6:
0x103: {  	s8 =	sadd.s32 $0x280, s8;
	s14 =	sadd.s32 s9, s11;
	[tilespmem:s12+$0x15960] =	vst v63;
	(pc) =	sbr.rel @p0 .LBB2_8-.Ltmp6, $4  }
0x104: {  	[tilespmem:s23], [sflag:$0x3] =	stream.indirect.gather [hbm4b:s2+s19], $0x80, s8, s19, $0xb8;
	[tilespmem:$0x19900] =	vst v63  }
0x105: {  	s8 =	sshll.u32 s14, $0x4  }
0x106: {  	s8 =	sadd.s32 s3, s8  }
0x107: {  	[hbm4b:s8+s4] =	stream.linear.scatter [tilespmem:s0], [sflag:$0x6], $0x4000, $0x38;
	[tilespmem:$0x19900] =	vst v63  }
0x108: {  	_ =	swait.ge [sflag:s24], $0x4000  }
0x109: {  	[sflag:s24] =	ssyncset.done $0x0  }
0x10a: {  	[sflag:s24] =	ssyncadd.s32 $0xFFFFC000  }
0x10b: {  	_ =	swait.ge [sflag:s22], $0x4000  }
0x10c: {  	[sflag:s22] =	ssyncset.done $0x0  }
0x10d: {  	s8 =	simm.s32 $0x0;
	[sflag:s22] =	ssyncadd.s32 $0xFFFFC000  }
0x10e: {  	v1 =	vld [tilespmem:s8+$0x1970]  }
0x10f: {  	v5 =	vld [tilespmem:s8+$0x1900]  }
0x110: {  	v6 =	vld [tilespmem:s8+$0x1910]  }
0x111: {  	v4 =	vld [tilespmem:s8+$0x1920]  }
0x112: {  	v3 =	vld [tilespmem:s8+$0x1930]  }
0x113: {  	v0 =	vld [tilespmem:s8+$0x1940];
	v7 =	vmul.f32 $1.131370830e+01, v1  }
0x114: {  	v1 =	vld [tilespmem:s8+$0x1950];
	v5 =	vmul.f32 $1.131370830e+01, v5  }
0x115: {  	s7 =	simm.s32 $0x80;
	s9 =	simm.s32 $0x400;
	v2 =	vld [tilespmem:s8+$0x1960];
	v6 =	vmul.f32 $1.131370830e+01, v6;
	[tilespmem:s8+$0xD970] =	vst v7  }
.LBB2_16:
0x116: {  	p0 =	sne.s32 s9, $0xFE00;
	v7 =	vld [tilespmem:s7+$0x1970];
	[tilespmem:s8+$0xD900] =	vst v5;
	v4 =	vmul.f32 $1.131370830e+01, v4  }
0x117: {  	v5 =	vld [tilespmem:s7+$0x1900];
	[tilespmem:s8+$0xD910] =	vst v6;
	v3 =	vmul.f32 $1.131370830e+01, v3  }
0x118: {  	v6 =	vld [tilespmem:s7+$0x1910];
	[tilespmem:s8+$0xD920] =	vst v4;
	v0 =	vmul.f32 $1.131370830e+01, v0  }
.Ltmp7:
0x119: {  	v4 =	vld [tilespmem:s7+$0x1920];
	[tilespmem:s8+$0xD930] =	vst v3;
	v1 =	vmul.f32 $1.131370830e+01, v1;
	(pc) =	sbr.rel @p0 .LBB2_16-.Ltmp7, $4  }
0x11a: {  	v3 =	vld [tilespmem:s7+$0x1930];
	[tilespmem:s8+$0xD940] =	vst v0;
	v2 =	vmul.f32 $1.131370830e+01, v2  }
0x11b: {  	v0 =	vld [tilespmem:s7+$0x1940];
	v7 =	vmul.f32 $1.131370830e+01, v7;
	[tilespmem:s8+$0xD950] =	vst v1  }
0x11c: {  	v5 =	vmul.f32 $1.131370830e+01, v5;
	v1 =	vld [tilespmem:s7+$0x1950];
	[tilespmem:s8+$0xD960] =	vst v2;
	s8 =	smov.u32 s7  }
0x11d: {  	s7 =	sshra.s32 s9, $0x2;
	s9 =	sadd.s32 $0x200, s9;
	v6 =	vmul.f32 $1.131370830e+01, v6;
	v2 =	vld [tilespmem:s8+$0x1960];
	[tilespmem:s8+$0xD970] =	vst v7  }
0x11e: {  	v7 =	vld [tilespmem:s7+$0x1970];
	[tilespmem:s8+$0xD900] =	vst v5;
	v4 =	vmul.f32 $1.131370830e+01, v4  }
0x11f: {  	v5 =	vld [tilespmem:s7+$0x1900];
	[tilespmem:s8+$0xD910] =	vst v6;
	v3 =	vmul.f32 $1.131370830e+01, v3  }
0x120: {  	v6 =	vld [tilespmem:s7+$0x1910];
	[tilespmem:s8+$0xD920] =	vst v4;
	v0 =	vmul.f32 $1.131370830e+01, v0  }
0x121: {  	v4 =	vld [tilespmem:s7+$0x1920];
	[tilespmem:s8+$0xD930] =	vst v3;
	v1 =	vmul.f32 $1.131370830e+01, v1  }
0x122: {  	v3 =	vld [tilespmem:s7+$0x1930];
	[tilespmem:s8+$0xD940] =	vst v0;
	v2 =	vmul.f32 $1.131370830e+01, v2  }
0x123: {  	v0 =	vld [tilespmem:s7+$0x1940];
	[tilespmem:s8+$0xD950] =	vst v1;
	v7 =	vmul.f32 $1.131370830e+01, v7  }
0x124: {  	v1 =	vld [tilespmem:s7+$0x1950];
	[tilespmem:s8+$0xD960] =	vst v2;
	v2 =	vmul.f32 $1.131370830e+01, v5  }
0x125: {  	v5 =	vld [tilespmem:s7+$0x1960];
	v6 =	vmul.f32 $1.131370830e+01, v6;
	[tilespmem:s7+$0xD970] =	vst v7  }
0x126: {  	[tilespmem:s7+$0xD900] =	vst v2;
	v2 =	vmul.f32 $1.131370830e+01, v4  }
0x127: {  	[tilespmem:s7+$0xD910] =	vst v6;
	v3 =	vmul.f32 $1.131370830e+01, v3  }
0x128: {  	[tilespmem:s7+$0xD920] =	vst v2;
	v0 =	vmul.f32 $1.131370830e+01, v0  }
0x129: {  	[tilespmem:s7+$0xD930] =	vst v3;
	v1 =	vmul.f32 $1.131370830e+01, v1  }
0x12a: {  	[tilespmem:s7+$0xD940] =	vst v0;
	v0 =	vmul.f32 $1.131370830e+01, v5  }
0x12b: {  	[tilespmem:s7+$0xD950] =	vst v1  }
0x12c: {  	s12 =	simm.s32 $0x1800;
	[tilespmem:s7+$0xD960] =	vst v0  }
0x12d: {  	[tilespmem:s20], [sflag:$0x1] =	stream.indirect.gather [hbm4b:s2+s19], $0x80, s12, s19, $0xb8;
	[tilespmem:$0x19900] =	vst v63  }
0x12e: {  	s13 =	simm.s32 $0x0;
	s14 =	rddreg [dreg:$0x7]  }
0x12f: {  	[hbm4b:s14+s13] =	stream.linear.scatter [tilespmem:s26], [sflag:$0x4], $0x4000, $0x38;
	[tilespmem:$0x19900] =	vst v63  }
0x130: {  	_ =	swait.ge [sflag:s28], $0x4000  }
0x131: {  	[sflag:s28] =	ssyncset.done $0x0  }
0x132: {  	[sflag:s28] =	ssyncadd.s32 $0xFFFFC000  }
0x133: {  	_ =	swait.ge [sflag:s25], $0x4000  }
0x134: {  	[sflag:s25] =	ssyncset.done $0x0  }
0x135: {  	s8 =	simm.s32 $0x0;
	[sflag:s25] =	ssyncadd.s32 $0xFFFFC000  }
0x136: {  	v1 =	vld [tilespmem:s8+$0x5970]  }
0x137: {  	v5 =	vld [tilespmem:s8+$0x5900]  }
0x138: {  	v6 =	vld [tilespmem:s8+$0x5910]  }
0x139: {  	v4 =	vld [tilespmem:s8+$0x5920]  }
0x13a: {  	v3 =	vld [tilespmem:s8+$0x5930]  }
0x13b: {  	v0 =	vld [tilespmem:s8+$0x5940];
	v7 =	vmul.f32 $1.131370830e+01, v1  }
0x13c: {  	v1 =	vld [tilespmem:s8+$0x5950];
	v5 =	vmul.f32 $1.131370830e+01, v5  }
0x13d: {  	s9 =	simm.s32 $0x400;
	s7 =	simm.s32 $0x80;
	v2 =	vld [tilespmem:s8+$0x5960];
	v6 =	vmul.f32 $1.131370830e+01, v6;
	[tilespmem:s8+$0x11970] =	vst v7  }
.LBB2_18:
0x13e: {  	p0 =	sne.s32 s9, $0xFE00;
	v7 =	vld [tilespmem:s7+$0x5970];
	[tilespmem:s8+$0x11900] =	vst v5;
	v4 =	vmul.f32 $1.131370830e+01, v4  }
0x13f: {  	v5 =	vld [tilespmem:s7+$0x5900];
	[tilespmem:s8+$0x11910] =	vst v6;
	v3 =	vmul.f32 $1.131370830e+01, v3  }
0x140: {  	v6 =	vld [tilespmem:s7+$0x5910];
	[tilespmem:s8+$0x11920] =	vst v4;
	v0 =	vmul.f32 $1.131370830e+01, v0  }
.Ltmp8:
0x141: {  	v4 =	vld [tilespmem:s7+$0x5920];
	[tilespmem:s8+$0x11930] =	vst v3;
	v1 =	vmul.f32 $1.131370830e+01, v1;
	(pc) =	sbr.rel @p0 .LBB2_18-.Ltmp8, $4  }
0x142: {  	v3 =	vld [tilespmem:s7+$0x5930];
	[tilespmem:s8+$0x11940] =	vst v0;
	v2 =	vmul.f32 $1.131370830e+01, v2  }
0x143: {  	v0 =	vld [tilespmem:s7+$0x5940];
	v7 =	vmul.f32 $1.131370830e+01, v7;
	[tilespmem:s8+$0x11950] =	vst v1  }
0x144: {  	v5 =	vmul.f32 $1.131370830e+01, v5;
	v1 =	vld [tilespmem:s7+$0x5950];
	[tilespmem:s8+$0x11960] =	vst v2;
	s8 =	smov.u32 s7  }
0x145: {  	s7 =	sshra.s32 s9, $0x2;
	s9 =	sadd.s32 $0x200, s9;
	v6 =	vmul.f32 $1.131370830e+01, v6;
	v2 =	vld [tilespmem:s8+$0x5960];
	[tilespmem:s8+$0x11970] =	vst v7  }
0x146: {  	v7 =	vld [tilespmem:s7+$0x5970];
	[tilespmem:s8+$0x11900] =	vst v5;
	v4 =	vmul.f32 $1.131370830e+01, v4  }
0x147: {  	v5 =	vld [tilespmem:s7+$0x5900];
	[tilespmem:s8+$0x11910] =	vst v6;
	v3 =	vmul.f32 $1.131370830e+01, v3  }
0x148: {  	v6 =	vld [tilespmem:s7+$0x5910];
	[tilespmem:s8+$0x11920] =	vst v4;
	v0 =	vmul.f32 $1.131370830e+01, v0  }
0x149: {  	v4 =	vld [tilespmem:s7+$0x5920];
	[tilespmem:s8+$0x11930] =	vst v3;
	v1 =	vmul.f32 $1.131370830e+01, v1  }
0x14a: {  	v3 =	vld [tilespmem:s7+$0x5930];
	[tilespmem:s8+$0x11940] =	vst v0;
	v2 =	vmul.f32 $1.131370830e+01, v2  }
0x14b: {  	v0 =	vld [tilespmem:s7+$0x5940];
	[tilespmem:s8+$0x11950] =	vst v1;
	v7 =	vmul.f32 $1.131370830e+01, v7  }
0x14c: {  	v1 =	vld [tilespmem:s7+$0x5950];
	[tilespmem:s8+$0x11960] =	vst v2;
	v2 =	vmul.f32 $1.131370830e+01, v5  }
0x14d: {  	v5 =	vld [tilespmem:s7+$0x5960];
	v6 =	vmul.f32 $1.131370830e+01, v6;
	[tilespmem:s7+$0x11970] =	vst v7  }
0x14e: {  	[tilespmem:s7+$0x11900] =	vst v2;
	v2 =	vmul.f32 $1.131370830e+01, v4  }
0x14f: {  	[tilespmem:s7+$0x11910] =	vst v6;
	v3 =	vmul.f32 $1.131370830e+01, v3  }
0x150: {  	[tilespmem:s7+$0x11920] =	vst v2;
	v0 =	vmul.f32 $1.131370830e+01, v0  }
0x151: {  	[tilespmem:s7+$0x11930] =	vst v3;
	v1 =	vmul.f32 $1.131370830e+01, v1  }
0x152: {  	[tilespmem:s7+$0x11940] =	vst v0;
	v0 =	vmul.f32 $1.131370830e+01, v5  }
0x153: {  	[tilespmem:s7+$0x11950] =	vst v1  }
0x154: {  	s12 =	simm.s32 $0x1880;
	[tilespmem:s7+$0x11960] =	vst v0  }
0x155: {  	[tilespmem:s21], [sflag:$0x2] =	stream.indirect.gather [hbm4b:s2+s19], $0x80, s12, s19, $0xb8;
	[tilespmem:$0x19900] =	vst v63  }
0x156: {  	s13 =	simm.s32 $0x0;
	s14 =	rddreg [dreg:$0x8]  }
0x157: {  	[hbm4b:s14+s13] =	stream.linear.scatter [tilespmem:s30], [sflag:$0x5], $0x4000, $0x38;
	[tilespmem:$0x19900] =	vst v63  }
0x158: {  	_ =	swait.ge [sflag:s31], $0x4000  }
0x159: {  	[sflag:s31] =	ssyncset.done $0x0  }
0x15a: {  	[sflag:s31] =	ssyncadd.s32 $0xFFFFC000  }
0x15b: {  	_ =	swait.ge [sflag:s29], $0x4000  }
0x15c: {  	[sflag:s29] =	ssyncset.done $0x0  }
0x15d: {  	s8 =	simm.s32 $0x0;
	[sflag:s29] =	ssyncadd.s32 $0xFFFFC000  }
0x15e: {  	v1 =	vld [tilespmem:s8+$0x9970]  }
0x15f: {  	v5 =	vld [tilespmem:s8+$0x9900]  }
0x160: {  	v6 =	vld [tilespmem:s8+$0x9910]  }
0x161: {  	v4 =	vld [tilespmem:s8+$0x9920]  }
0x162: {  	v3 =	vld [tilespmem:s8+$0x9930]  }
0x163: {  	v0 =	vld [tilespmem:s8+$0x9940];
	v7 =	vmul.f32 $1.131370830e+01, v1  }
0x164: {  	v1 =	vld [tilespmem:s8+$0x9950];
	v5 =	vmul.f32 $1.131370830e+01, v5  }
0x165: {  	s9 =	simm.s32 $0x400;
	s7 =	simm.s32 $0x80;
	v2 =	vld [tilespmem:s8+$0x9960];
	v6 =	vmul.f32 $1.131370830e+01, v6;
	[tilespmem:s8+$0x15970] =	vst v7  }
.LBB2_20:
0x166: {  	p0 =	sne.s32 s9, $0xFE00;
	v7 =	vld [tilespmem:s7+$0x9970];
	[tilespmem:s8+$0x15900] =	vst v5;
	v4 =	vmul.f32 $1.131370830e+01, v4  }
0x167: {  	v5 =	vld [tilespmem:s7+$0x9900];
	[tilespmem:s8+$0x15910] =	vst v6;
	v3 =	vmul.f32 $1.131370830e+01, v3  }
0x168: {  	v6 =	vld [tilespmem:s7+$0x9910];
	[tilespmem:s8+$0x15920] =	vst v4;
	v0 =	vmul.f32 $1.131370830e+01, v0  }
.Ltmp9:
0x169: {  	v4 =	vld [tilespmem:s7+$0x9920];
	[tilespmem:s8+$0x15930] =	vst v3;
	v1 =	vmul.f32 $1.131370830e+01, v1;
	(pc) =	sbr.rel @p0 .LBB2_20-.Ltmp9, $4  }
0x16a: {  	v3 =	vld [tilespmem:s7+$0x9930];
	[tilespmem:s8+$0x15940] =	vst v0;
	v2 =	vmul.f32 $1.131370830e+01, v2  }
0x16b: {  	v0 =	vld [tilespmem:s7+$0x9940];
	v7 =	vmul.f32 $1.131370830e+01, v7;
	[tilespmem:s8+$0x15950] =	vst v1  }
0x16c: {  	v5 =	vmul.f32 $1.131370830e+01, v5;
	v1 =	vld [tilespmem:s7+$0x9950];
	[tilespmem:s8+$0x15960] =	vst v2;
	s8 =	smov.u32 s7  }
0x16d: {  	s7 =	sshra.s32 s9, $0x2;
	s9 =	sadd.s32 $0x200, s9;
	v6 =	vmul.f32 $1.131370830e+01, v6;
	v2 =	vld [tilespmem:s8+$0x9960];
	[tilespmem:s8+$0x15970] =	vst v7  }
0x16e: {  	v7 =	vld [tilespmem:s7+$0x9970];
	[tilespmem:s8+$0x15900] =	vst v5;
	v4 =	vmul.f32 $1.131370830e+01, v4  }
0x16f: {  	v5 =	vld [tilespmem:s7+$0x9900];
	[tilespmem:s8+$0x15910] =	vst v6;
	v3 =	vmul.f32 $1.131370830e+01, v3  }
0x170: {  	v6 =	vld [tilespmem:s7+$0x9910];
	[tilespmem:s8+$0x15920] =	vst v4;
	v0 =	vmul.f32 $1.131370830e+01, v0  }
0x171: {  	v4 =	vld [tilespmem:s7+$0x9920];
	[tilespmem:s8+$0x15930] =	vst v3;
	v1 =	vmul.f32 $1.131370830e+01, v1  }
0x172: {  	v3 =	vld [tilespmem:s7+$0x9930];
	[tilespmem:s8+$0x15940] =	vst v0;
	v2 =	vmul.f32 $1.131370830e+01, v2  }
0x173: {  	v0 =	vld [tilespmem:s7+$0x9940];
	[tilespmem:s8+$0x15950] =	vst v1;
	v7 =	vmul.f32 $1.131370830e+01, v7  }
0x174: {  	v1 =	vld [tilespmem:s7+$0x9950];
	[tilespmem:s8+$0x15960] =	vst v2;
	v2 =	vmul.f32 $1.131370830e+01, v5  }
0x175: {  	v5 =	vld [tilespmem:s7+$0x9960];
	v6 =	vmul.f32 $1.131370830e+01, v6;
	[tilespmem:s7+$0x15970] =	vst v7  }
0x176: {  	[tilespmem:s7+$0x15900] =	vst v2;
	v2 =	vmul.f32 $1.131370830e+01, v4  }
0x177: {  	[tilespmem:s7+$0x15910] =	vst v6;
	v3 =	vmul.f32 $1.131370830e+01, v3  }
0x178: {  	[tilespmem:s7+$0x15920] =	vst v2;
	v0 =	vmul.f32 $1.131370830e+01, v0  }
0x179: {  	[tilespmem:s7+$0x15930] =	vst v3;
	v1 =	vmul.f32 $1.131370830e+01, v1  }
0x17a: {  	[tilespmem:s7+$0x15940] =	vst v0;
	v0 =	vmul.f32 $1.131370830e+01, v5  }
0x17b: {  	[tilespmem:s7+$0x15950] =	vst v1  }
0x17c: {  	s13 =	simm.s32 $0x0;
	s14 =	rddreg [dreg:$0x9];
	[tilespmem:s7+$0x15960] =	vst v0  }
0x17d: {  	[hbm4b:s14+s13] =	stream.linear.scatter [tilespmem:s0], [sflag:$0x6], $0x4000, $0x38;
	[tilespmem:$0x19900] =	vst v63  }
0x17e: {  	_ =	swait.ge [sflag:s24], $0x4000  }
0x17f: {  	[sflag:s24] =	ssyncset.done $0x0  }
0x180: {  	[sflag:s24] =	ssyncadd.s32 $0xFFFFC000  }
0x181: {  	_ =	swait.ge [sflag:s22], $0x4000  }
0x182: {  	[sflag:s22] =	ssyncset.done $0x0  }
0x183: {  	s8 =	simm.s32 $0x0;
	[sflag:s22] =	ssyncadd.s32 $0xFFFFC000  }
0x184: {  	v1 =	vld [tilespmem:s8+$0x1970]  }
0x185: {  	v5 =	vld [tilespmem:s8+$0x1900]  }
0x186: {  	v6 =	vld [tilespmem:s8+$0x1910]  }
0x187: {  	v4 =	vld [tilespmem:s8+$0x1920]  }
0x188: {  	v3 =	vld [tilespmem:s8+$0x1930]  }
0x189: {  	v0 =	vld [tilespmem:s8+$0x1940];
	v7 =	vmul.f32 $1.131370830e+01, v1  }
0x18a: {  	v1 =	vld [tilespmem:s8+$0x1950];
	v5 =	vmul.f32 $1.131370830e+01, v5  }
0x18b: {  	s9 =	simm.s32 $0x400;
	s7 =	simm.s32 $0x80;
	v2 =	vld [tilespmem:s8+$0x1960];
	v6 =	vmul.f32 $1.131370830e+01, v6;
	[tilespmem:s8+$0xD970] =	vst v7  }
.LBB2_22:
0x18c: {  	p0 =	sne.s32 s9, $0xFE00;
	v7 =	vld [tilespmem:s7+$0x1970];
	[tilespmem:s8+$0xD900] =	vst v5;
	v4 =	vmul.f32 $1.131370830e+01, v4  }
0x18d: {  	v5 =	vld [tilespmem:s7+$0x1900];
	[tilespmem:s8+$0xD910] =	vst v6;
	v3 =	vmul.f32 $1.131370830e+01, v3  }
0x18e: {  	v6 =	vld [tilespmem:s7+$0x1910];
	[tilespmem:s8+$0xD920] =	vst v4;
	v0 =	vmul.f32 $1.131370830e+01, v0  }
.Ltmp10:
0x18f: {  	v4 =	vld [tilespmem:s7+$0x1920];
	[tilespmem:s8+$0xD930] =	vst v3;
	v1 =	vmul.f32 $1.131370830e+01, v1;
	(pc) =	sbr.rel @p0 .LBB2_22-.Ltmp10, $4  }
0x190: {  	v3 =	vld [tilespmem:s7+$0x1930];
	[tilespmem:s8+$0xD940] =	vst v0;
	v2 =	vmul.f32 $1.131370830e+01, v2  }
0x191: {  	v0 =	vld [tilespmem:s7+$0x1940];
	v7 =	vmul.f32 $1.131370830e+01, v7;
	[tilespmem:s8+$0xD950] =	vst v1  }
0x192: {  	v5 =	vmul.f32 $1.131370830e+01, v5;
	v1 =	vld [tilespmem:s7+$0x1950];
	[tilespmem:s8+$0xD960] =	vst v2;
	s8 =	smov.u32 s7  }
0x193: {  	s7 =	sshra.s32 s9, $0x2;
	s9 =	sadd.s32 $0x200, s9;
	v6 =	vmul.f32 $1.131370830e+01, v6;
	v2 =	vld [tilespmem:s8+$0x1960];
	[tilespmem:s8+$0xD970] =	vst v7  }
0x194: {  	v7 =	vld [tilespmem:s7+$0x1970];
	[tilespmem:s8+$0xD900] =	vst v5;
	v4 =	vmul.f32 $1.131370830e+01, v4  }
0x195: {  	v5 =	vld [tilespmem:s7+$0x1900];
	[tilespmem:s8+$0xD910] =	vst v6;
	v3 =	vmul.f32 $1.131370830e+01, v3  }
0x196: {  	v6 =	vld [tilespmem:s7+$0x1910];
	[tilespmem:s8+$0xD920] =	vst v4;
	v0 =	vmul.f32 $1.131370830e+01, v0  }
0x197: {  	v4 =	vld [tilespmem:s7+$0x1920];
	[tilespmem:s8+$0xD930] =	vst v3;
	v1 =	vmul.f32 $1.131370830e+01, v1  }
0x198: {  	v3 =	vld [tilespmem:s7+$0x1930];
	[tilespmem:s8+$0xD940] =	vst v0;
	v2 =	vmul.f32 $1.131370830e+01, v2  }
0x199: {  	v0 =	vld [tilespmem:s7+$0x1940];
	[tilespmem:s8+$0xD950] =	vst v1;
	v7 =	vmul.f32 $1.131370830e+01, v7  }
0x19a: {  	v1 =	vld [tilespmem:s7+$0x1950];
	[tilespmem:s8+$0xD960] =	vst v2;
	v2 =	vmul.f32 $1.131370830e+01, v5  }
0x19b: {  	v5 =	vld [tilespmem:s7+$0x1960];
	v6 =	vmul.f32 $1.131370830e+01, v6;
	[tilespmem:s7+$0xD970] =	vst v7  }
0x19c: {  	[tilespmem:s7+$0xD900] =	vst v2;
	v2 =	vmul.f32 $1.131370830e+01, v4  }
0x19d: {  	[tilespmem:s7+$0xD910] =	vst v6;
	v3 =	vmul.f32 $1.131370830e+01, v3  }
0x19e: {  	[tilespmem:s7+$0xD920] =	vst v2;
	v0 =	vmul.f32 $1.131370830e+01, v0  }
0x19f: {  	[tilespmem:s7+$0xD930] =	vst v3;
	v1 =	vmul.f32 $1.131370830e+01, v1  }
0x1a0: {  	[tilespmem:s7+$0xD940] =	vst v0;
	v0 =	vmul.f32 $1.131370830e+01, v5  }
0x1a1: {  	[tilespmem:s7+$0xD950] =	vst v1  }
0x1a2: {  	s14 =	simm.s32 $0x0;
	[tilespmem:s7+$0xD960] =	vst v0  }
0x1a3: {  	[hbm4b:s15+s14] =	stream.linear.scatter [tilespmem:s26], [sflag:$0x4], $0x4000, $0x38;
	[tilespmem:$0x19900] =	vst v63  }
0x1a4: {  	_ =	swait.ge [sflag:s28], $0x4000  }
0x1a5: {  	[sflag:s28] =	ssyncset.done $0x0  }
0x1a6: {  	[sflag:s28] =	ssyncadd.s32 $0xFFFFC000  }
0x1a7: {  	_ =	swait.ge [sflag:s25], $0x4000  }
0x1a8: {  	[sflag:s25] =	ssyncset.done $0x0  }
0x1a9: {  	s8 =	simm.s32 $0x0;
	[sflag:s25] =	ssyncadd.s32 $0xFFFFC000  }
0x1aa: {  	v1 =	vld [tilespmem:s8+$0x5970]  }
0x1ab: {  	v5 =	vld [tilespmem:s8+$0x5900]  }
0x1ac: {  	v6 =	vld [tilespmem:s8+$0x5910]  }
0x1ad: {  	v4 =	vld [tilespmem:s8+$0x5920]  }
0x1ae: {  	v3 =	vld [tilespmem:s8+$0x5930]  }
0x1af: {  	v0 =	vld [tilespmem:s8+$0x5940];
	v7 =	vmul.f32 $1.131370830e+01, v1  }
0x1b0: {  	v1 =	vld [tilespmem:s8+$0x5950];
	v5 =	vmul.f32 $1.131370830e+01, v5  }
0x1b1: {  	s9 =	simm.s32 $0x400;
	s7 =	simm.s32 $0x80;
	v2 =	vld [tilespmem:s8+$0x5960];
	v6 =	vmul.f32 $1.131370830e+01, v6;
	[tilespmem:s8+$0x11970] =	vst v7  }
.LBB2_24:
0x1b2: {  	p0 =	sne.s32 s9, $0xFE00;
	v7 =	vld [tilespmem:s7+$0x5970];
	[tilespmem:s8+$0x11900] =	vst v5;
	v4 =	vmul.f32 $1.131370830e+01, v4  }
0x1b3: {  	v5 =	vld [tilespmem:s7+$0x5900];
	[tilespmem:s8+$0x11910] =	vst v6;
	v3 =	vmul.f32 $1.131370830e+01, v3  }
0x1b4: {  	v6 =	vld [tilespmem:s7+$0x5910];
	[tilespmem:s8+$0x11920] =	vst v4;
	v0 =	vmul.f32 $1.131370830e+01, v0  }
.Ltmp11:
0x1b5: {  	v4 =	vld [tilespmem:s7+$0x5920];
	[tilespmem:s8+$0x11930] =	vst v3;
	v1 =	vmul.f32 $1.131370830e+01, v1;
	(pc) =	sbr.rel @p0 .LBB2_24-.Ltmp11, $4  }
0x1b6: {  	v3 =	vld [tilespmem:s7+$0x5930];
	[tilespmem:s8+$0x11940] =	vst v0;
	v2 =	vmul.f32 $1.131370830e+01, v2  }
0x1b7: {  	v0 =	vld [tilespmem:s7+$0x5940];
	v7 =	vmul.f32 $1.131370830e+01, v7;
	[tilespmem:s8+$0x11950] =	vst v1  }
0x1b8: {  	v5 =	vmul.f32 $1.131370830e+01, v5;
	v1 =	vld [tilespmem:s7+$0x5950];
	[tilespmem:s8+$0x11960] =	vst v2;
	s8 =	smov.u32 s7  }
0x1b9: {  	s7 =	sshra.s32 s9, $0x2;
	s9 =	sadd.s32 $0x200, s9;
	v6 =	vmul.f32 $1.131370830e+01, v6;
	v2 =	vld [tilespmem:s8+$0x5960];
	[tilespmem:s8+$0x11970] =	vst v7  }
0x1ba: {  	v7 =	vld [tilespmem:s7+$0x5970];
	[tilespmem:s8+$0x11900] =	vst v5;
	v4 =	vmul.f32 $1.131370830e+01, v4  }
0x1bb: {  	v5 =	vld [tilespmem:s7+$0x5900];
	[tilespmem:s8+$0x11910] =	vst v6;
	v3 =	vmul.f32 $1.131370830e+01, v3  }
0x1bc: {  	v6 =	vld [tilespmem:s7+$0x5910];
	[tilespmem:s8+$0x11920] =	vst v4;
	v0 =	vmul.f32 $1.131370830e+01, v0  }
0x1bd: {  	v4 =	vld [tilespmem:s7+$0x5920];
	[tilespmem:s8+$0x11930] =	vst v3;
	v1 =	vmul.f32 $1.131370830e+01, v1  }
0x1be: {  	v3 =	vld [tilespmem:s7+$0x5930];
	[tilespmem:s8+$0x11940] =	vst v0;
	v2 =	vmul.f32 $1.131370830e+01, v2  }
0x1bf: {  	v0 =	vld [tilespmem:s7+$0x5940];
	[tilespmem:s8+$0x11950] =	vst v1;
	v7 =	vmul.f32 $1.131370830e+01, v7  }
0x1c0: {  	v1 =	vld [tilespmem:s7+$0x5950];
	[tilespmem:s8+$0x11960] =	vst v2;
	v60 =	vmul.f32 $1.131370830e+01, v5  }
0x1c1: {  	v61 =	vld [tilespmem:s7+$0x5960];
	v6 =	vmul.f32 $1.131370830e+01, v6;
	[tilespmem:s7+$0x11970] =	vst v7  }
0x1c2: {  	[tilespmem:s7+$0x11900] =	vst v60;
	v62 =	vmul.f32 $1.131370830e+01, v4  }
0x1c3: {  	[tilespmem:s7+$0x11910] =	vst v6;
	v3 =	vmul.f32 $1.131370830e+01, v3  }
0x1c4: {  	[tilespmem:s7+$0x11920] =	vst v62;
	v0 =	vmul.f32 $1.131370830e+01, v0  }
0x1c5: {  	[tilespmem:s7+$0x11930] =	vst v3;
	v1 =	vmul.f32 $1.131370830e+01, v1  }
0x1c6: {  	[tilespmem:s7+$0x11940] =	vst v0;
	v63 =	vmul.f32 $1.131370830e+01, v61  }
0x1c7: {  	[tilespmem:s7+$0x11950] =	vst v1  }
0x1c8: {  	[tilespmem:s7+$0x11960] =	vst v63  }
0x1c9: {  	[hbm4b:s16+s4] =	stream.linear.scatter [tilespmem:s30], [sflag:$0x5], $0x4000, $0x38;
	[tilespmem:$0x19900] =	vst v63  }
0x1ca: {  	_ =	swait.ge [sflag:s29], $0x4000  }
0x1cb: {  	[sflag:s29] =	ssyncset.done $0x0  }
0x1cc: {  	s1 =	sadd.s32 $0x1, s1;
	[sflag:s29] =	ssyncadd.s32 $0xFFFFC000  }
0x1cd: {  	p0 =	sne.s32 s1, s17;
	_ =	swait.ge [sflag:s22], $0x4000  }
.Ltmp12:
0x1ce: {  	[sflag:s22] =	ssyncset.done $0x0;
	(pc) =	sbr.rel @p0 .LBB2_1-.Ltmp12, $4  }
0x1cf: {  	[sflag:s22] =	ssyncadd.s32 $0xFFFFC000  }
0x1d0: {  	_ =	swait.ge [sflag:s25], $0x4000  }
0x1d1: {  	[sflag:s25] =	ssyncset.done $0x0  }
0x1d2: {  	[sflag:s25] =	ssyncadd.s32 $0xFFFFC000  }
0x1d3: {  	_ =	sfence.sel $0x180000  }
0x1d4: {  	[bflag:$0x0] =	sbarrier.arrive $0xFFFF  }
0x1d5: {  	_ =	strace $0x90000047  }
0x1d6: {  	s0 =	stileid.u32;
	[bflag:$0x2] =	sbarrier.arrive $0xFFFF  }
0x1d7: {  	p0 =	sne.s32 s0, $0x0;
	s0 =	rddreg [dreg:$0x3]  }
0x1d8: {  	s0 =	sadd.s32 @!p0 $0x100000, s0  }
0x1d9: {  	[sflag:s0] =	ssyncadd.tile.s32 @!p0 $0x1;
	_ =	shalt  }
.Lfunc_end2:
_tile_overlayer_lowered:
.L_overlay_start_2:
0x1da: {  	(tag) =	ssettag $0x2  }
0x1db: {  	s0 =	rddreg [dreg:$0x0];
	s2 =	stileid.u32  }
0x1dc: {  	s1 =	rddreg [dreg:$0x1];
	p0 =	sne.s32 s2, $0x0  }
0x1dd: {  	s3 =	rddreg [dreg:$0x2];
	[bflag:$0x3] =	sbarrier.arrive $0xFFFF;
	s2 =	simm.s32 @!p0 $0x1C07  }
0x1de: {  	[timem:s3], [sflag:s2] =	dma.local @!p0 [hbm:s0], s1  }
0x1df: {  	s0 =	simm.s32 @!p0 $0x7  }
0x1e0: {  	_ =	swait.ge @!p0 [sflag:s0], s1  }
0x1e1: {  	s1 =	ssub.s32 @!p0 $0x0, s1;
	[sflag:s0] =	ssyncset.done @!p0 $0x0  }
0x1e2: {  	[sflag:s0] =	ssyncadd.s32 @!p0 s1  }
0x1e3: {  	[bflag:$0x3] =	sbarrier.arrive $0xFFFF  }
0x1e4: {  	_ =	shalt  }

</sc_bundles>
